<compile_context>
chip_gen: v7x
topology: tpu7x:2x2x1
jax: 0.10.2.dev20260603
libtpu: 0.0.44.dev20260713+nightly
codegen_flags: <defaults>
</compile_context>

<pallas_src>
import jax
import jax.numpy as jnp
from jax import lax
from jax.experimental import pallas as pl
from jax.experimental.pallas import tpu as pltpu
from jax.experimental.pallas import tpu_sc as plsc

B = 8
S1 = 2047
TOTAL = 1391
INST_START = 852
WIN_LO = 768
WIN_HI = 1024
WOFF = INST_START - WIN_LO
TS = 1024
NSB = 2
SP = 2048
CH = 512
SONG_PAD = 2056
DUMMY_BIT = 255

NEG = -1e9



def _sc_mask_body(song_ref, ct_ref, p_ref, ex_ref,
                  song_v, ct_v, scat_v, ftab_v, words_v, tmp_v, acc_v,
                  stage_v):
    cid = lax.axis_index("c")
    sid = lax.axis_index("s")
    wid = cid * 16 + sid
    b = wid // 4
    s = wid % 4
    i0 = s * CH

    pltpu.sync_copy(song_ref.at[b, pl.ds(i0, CH + 8), :], song_v)
    pltpu.sync_copy(ct_ref.at[b, pl.ds(i0, CH)], ct_v)

    iota = lax.iota(jnp.int32, 16)

    def ext(g, carry):
        t = jnp.minimum(iota + g * 16, CH)
        flags = plsc.load_gather(song_v, [t, jnp.zeros_like(iota)])
        vals = plsc.load_gather(song_v, [t, jnp.full_like(iota, 6)])
        scat = jnp.where(flags == 1, vals + WOFF, DUMMY_BIT)
        scat_v[pl.ds(g * 16, 16)] = scat
        return carry
    lax.fori_loop(0, 33, ext, 0)

    def finit(j, carry):
        ftab_v[pl.ds(j * 16, 16)] = jnp.ones((16,), jnp.float32)
        return carry
    lax.fori_loop(0, 16, finit, 0)

    def pha(g, carry):
        idx = scat_v[pl.ds(g * 16, 16)]
        plsc.store_scatter(ftab_v, [idx], jnp.zeros((16,), jnp.float32))
        return carry
    lax.fori_loop(0, 32, pha, 0)

    def conv(wj, wvec):
        g0 = ftab_v[pl.ds(wj * 32, 16)]
        g1 = ftab_v[pl.ds(wj * 32 + 16, 16)]
        lo = jnp.sum(jnp.where(g0 == 0.0, jnp.int32(1) << iota, 0))
        hi = jnp.sum(jnp.where(g1 == 0.0, jnp.int32(1) << iota, 0))
        word = lo | (hi << 16)
        return wvec | jnp.where(iota == wj, word, 0)
    words = lax.fori_loop(0, 8, conv, jnp.zeros((16,), jnp.int32))
    words_v[...] = words

    pltpu.sync_copy(words_v, ex_ref.at[wid])
    plsc.subcore_barrier()
    acc_v[...] = jnp.zeros((16,), jnp.int32)
    for k in range(3):
        @pl.when(k < s)
        def _(k=k):
            pltpu.sync_copy(ex_ref.at[b * 4 + k], tmp_v)
            acc_v[...] = acc_v[...] | tmp_v[...]

    tok0 = scat_v[pl.ds(0, 16)][0]
    tbl0 = acc_v[...] | jnp.where(iota == (tok0 >> 5), 1 << (tok0 & 31), 0)

    def emit_grp(g, tbl):
        tok16 = scat_v[pl.ds(g * 16 + 1, 16)]
        ct16 = ct_v[pl.ds(g * 16, 16)]
        for j in range(16):
            tok = tok16[j]
            tbl = tbl | jnp.where(iota == (tok >> 5), 1 << (tok & 31), 0)
            cvec = jnp.broadcast_to(ct16[j], (16,)) == 1
            out = jnp.where(cvec, tbl, jnp.zeros((16,), jnp.int32))
            stage_v[pl.ds((g * 16 + j) * 16, 16)] = out
        return tbl
    lax.fori_loop(0, CH // 16, emit_grp, tbl0)

    pltpu.sync_copy(stage_v, p_ref.at[b, pl.ds(i0 * 16, CH * 16)])


def _build_sc(interpret=False):
    mesh = plsc.VectorSubcoreMesh(core_axis_name="c", subcore_axis_name="s",
                                  num_cores=2, num_subcores=16)
    return pl.kernel(
        _sc_mask_body,
        out_type=(jax.ShapeDtypeStruct((B, SP * 16), jnp.int32),
                  jax.ShapeDtypeStruct((32, 16), jnp.int32)),
        mesh=mesh,
        scratch_types=[
            pltpu.VMEM((CH + 8, 11), jnp.int32),
            pltpu.VMEM((CH,), jnp.int32),
            pltpu.VMEM((528,), jnp.int32),
            pltpu.VMEM((256,), jnp.float32),
            pltpu.VMEM((16,), jnp.int32),
            pltpu.VMEM((16,), jnp.int32),
            pltpu.VMEM((16,), jnp.int32),
            pltpu.VMEM((CH * 16,), jnp.int32),
        ],
        compiler_params=pltpu.CompilerParams(needs_layout_passes=False),
        interpret=interpret,
    )



def _tc_apply_body(p_ref, x_ref, o_ref):
    words = p_ref[0]
    lanes = jax.lax.broadcasted_iota(jnp.int32, (TS, 256), 1)
    grp = lanes >> 5
    wsel = jnp.zeros((TS, 256), jnp.int32)
    for wj in range(2, 7):
        wsel = jnp.where(grp == wj, words[:, wj:wj + 1], wsel)
    bits = (wsel >> (lanes & 31)) & 1

    o_ref[0, :, :WIN_LO] = x_ref[0, :, :WIN_LO]
    o_ref[0, :, WIN_LO:WIN_HI] = jnp.where(
        bits == 1, NEG, x_ref[0, :, WIN_LO:WIN_HI])
    o_ref[0, :, WIN_HI:] = x_ref[0, :, WIN_HI:]


def _build_tc(interpret=False):
    return pl.pallas_call(
        _tc_apply_body,
        grid=(B, NSB),
        in_specs=[
            pl.BlockSpec((1, TS, 16), lambda b, s: (b, s, 0)),
            pl.BlockSpec((1, TS, TOTAL), lambda b, s: (b, s, 0)),
        ],
        out_specs=pl.BlockSpec((1, TS, TOTAL), lambda b, s: (b, s, 0)),
        out_shape=jax.ShapeDtypeStruct((B, S1, TOTAL), jnp.float32),
        interpret=interpret,
    )


def kernel(chosen_types, song_tokens, seq_scores):
    song = song_tokens.astype(jnp.int32)
    song = jnp.pad(song, ((0, 0), (0, SONG_PAD - S1), (0, 0)))
    ct = jnp.pad(chosen_types.astype(jnp.int32), ((0, 0), (0, SP - S1)))
    p, _ = _build_sc()(song, ct)
    p3 = p.reshape(B, SP, 16)
    return _build_tc()(p3, seq_scores)

# --- scband reference (transcript-rebuilt; emitter-appended) ---
"""Pipeline reference for scband-masking-activation-layer-20633022890850 (READ-ONLY COPY).

The authoritative reference and input builder live on the scoring server;
editing this copy changes nothing except your own understanding.
"""

import jax, jax.numpy as jnp
import numpy as np

# Config constants reconstructed from the module (conf.*):
SEQ_LEN = 2048
S1 = SEQ_LEN - 1
# Feature ranges (order: measure, beat, position, duration, pitch, instrument, velocity, key_sign, time_sign, tempo)
# chosen so they sum to 1391 (the summed logits length minus the type logits) and instrument=129 as in the source.
INPUT_RANGES = {"measure": 200, "beat": 132, "position": 128, "duration": 136, "pitch": 256, "instrument": 129, "velocity": 128, "key_sign": 24, "time_sign": 153, "tempo": 105}
TOTAL = 1391
N_INST = INPUT_RANGES["instrument"]
INST_START = 200 + 132 + 128 + 136 + 256  # 852, instrument is mask slot 5
TAIL = TOTAL - INST_START - N_INST  # 410
BATCH = 8


def setup_inputs(seed: int = 0) -> dict:
    key = jax.random.key(seed)
    k1, k2, k3 = jax.random.split(key, 3)
    chosen_types = jax.random.randint(k1, (BATCH, S1), 0, 8)
    song_tokens = jax.random.randint(k2, (BATCH, S1, 11), 0, 24)
    seq_scores = jax.random.normal(k3, (BATCH, S1, TOTAL), dtype=jnp.float32)
    return {"chosen_types": chosen_types, "song_tokens": song_tokens, "seq_scores": seq_scores}


def _mask_one_elem(ct, song):
    # ct: int32[S1], song: int32[S1, 11]
    is_instr = (song[:, 0] == 1)
    instr_vals = song[:, 6]

    def per_idx(i, c):
        # tmp_token_mask: tokens up to i+1
        tmp = (jnp.arange(S1) <= i + 1).astype(jnp.float32)
        token_is_instr = is_instr.astype(jnp.float32) * tmp
        occ = jnp.sum(token_is_instr)
        # get_mask_of_present_values_from_desired_type with reverse_mask=True:
        # scatter-min zeros into a ones table of size N_INST+1 at instrument indices
        idxs = jnp.where(token_is_instr > 0.0, instr_vals, N_INST)
        type_mask = jnp.ones(N_INST + 1, jnp.float32).at[idxs].min(jnp.zeros(S1, jnp.float32))
        inst_rev = type_mask[:-1] > 0.5
        # chosen_type==1 and at least one instrument seen -> reverse scatter mask; else all-true slot
        use_scatter = jnp.logical_and(c == 1, occ > 0.0)
        inst_seg = jnp.where(use_scatter, inst_rev, jnp.ones(N_INST, dtype=bool))
        return jnp.concatenate([jnp.ones(INST_START, dtype=bool), inst_seg, jnp.ones(TAIL, dtype=bool)])

    return jax.vmap(per_idx)(jnp.arange(S1), ct)


def reference(chosen_types, song_tokens, seq_scores):
    ct = chosen_types.astype(jnp.int32)
    song = song_tokens.astype(jnp.int32)

    def body(args):
        c, s = args
        return _mask_one_elem(c, s)

    masks = jax.lax.map(body, (ct, song))  # bool[B, S1, TOTAL]
    # masking activation: suppress masked logits
    return jnp.where(masks, seq_scores, jnp.float32(-1e9))

if __name__ == "__main__":
    import jax
    _d = setup_inputs()
    print(jax.jit(kernel)(*tuple(_d.values())))

</pallas_src>

<mosaic_0001>
#map = affine_map<(d0, d1) -> (0, 0, 0)>
#map1 = affine_map<(d0, d1) -> (0, 0)>
module attributes {stable_mosaic.version = 14 : i64} {
  func.func @_sc_mask_body(%arg0: i32, %arg1: i32, %arg2: memref<8x2056x11xi32, #tpu.memory_space<hbm>>, %arg3: memref<8x2048xi32, #tpu.memory_space<hbm>>, %arg4: memref<8x32768xi32, #tpu.memory_space<hbm>>, %arg5: memref<32x16xi32, #tpu.memory_space<hbm>>, %arg6: memref<520x11xi32, #tpu.memory_space<vmem>>, %arg7: memref<512xi32, #tpu.memory_space<vmem>>, %arg8: memref<528xi32, #tpu.memory_space<vmem>>, %arg9: memref<256xf32, #tpu.memory_space<vmem>>, %arg10: memref<16xi32, #tpu.memory_space<vmem>>, %arg11: memref<16xi32, #tpu.memory_space<vmem>>, %arg12: memref<16xi32, #tpu.memory_space<vmem>>, %arg13: memref<8192xi32, #tpu.memory_space<vmem>>) attributes {dimension_semantics = [#tpu.dimension_semantics<core_parallel>, #tpu.dimension_semantics<subcore_parallel>], iteration_bounds = array<i64: 2, 16>, scalar_prefetch = 0 : i64, scratch_operands = 8 : i64, tpu.core_type = #tpu.core_type<sc_vector_subcore>, window_params = [{transform_indices = #map}, {transform_indices = #map1}, {transform_indices = #map1}, {transform_indices = #map1}]} {
    %mul3A = arith.constant 16 : i32
    %mul3A_0 = arith.muli %arg0, %mul3A : i32
    %add3A = arith.addi %mul3A_0, %arg1 : i32
    %jit3A = arith.constant 4 : i32
    %div3A = arith.divsi %add3A, %jit3A : i32
    %sign3A = arith.constant 0 : i32
    %sign3A_1 = arith.cmpi sgt, %add3A, %sign3A : i32
    %sign3A_2 = arith.extui %sign3A_1 : i1 to i32
    %sign3A_3 = arith.constant 0 : i32
    %sign3A_4 = arith.cmpi slt, %add3A, %sign3A_3 : i32
    %sign3A_5 = arith.extui %sign3A_4 : i1 to i32
    %sign3A_6 = arith.subi %sign3A_2, %sign3A_5 : i32
    %sign3A_7 = arith.constant 0 : i32
    %sign3A_8 = arith.cmpi sgt, %jit3A, %sign3A_7 : i32
    %sign3A_9 = arith.extui %sign3A_8 : i1 to i32
    %sign3A_10 = arith.constant 0 : i32
    %sign3A_11 = arith.cmpi slt, %jit3A, %sign3A_10 : i32
    %sign3A_12 = arith.extui %sign3A_11 : i1 to i32
    %sign3A_13 = arith.subi %sign3A_9, %sign3A_12 : i32
    %ne3A = arith.cmpi ne, %sign3A_6, %sign3A_13 : i32
    %rem3A = arith.remsi %add3A, %jit3A : i32
    %ne3A_14 = arith.constant 0 : i32
    %ne3A_15 = arith.cmpi ne, %rem3A, %ne3A_14 : i32
    %and3A = arith.andi %ne3A, %ne3A_15 : i1
    %sub3A = arith.constant 1 : i32
    %sub3A_16 = arith.subi %div3A, %sub3A : i32
    %select_n3A = arith.select %and3A, %sub3A_16, %div3A : i32
    %jit3A_17 = arith.constant 4 : i32
    %eq3A = arith.constant 0 : i32
    %eq3A_18 = arith.cmpi eq, %jit3A_17, %eq3A : i32
    %jit3A_19 = arith.constant 1 : i32
    %select_n3A_20 = arith.select %eq3A_18, %jit3A_19, %jit3A_17 : i32
    %rem3A_21 = arith.remsi %add3A, %select_n3A_20 : i32
    %ne3A_22 = arith.constant 0 : i32
    %ne3A_23 = arith.cmpi ne, %rem3A_21, %ne3A_22 : i32
    %lt3A = arith.constant 0 : i32
    %lt3A_24 = arith.cmpi slt, %rem3A_21, %lt3A : i32
    %lt3A_25 = arith.constant 0 : i32
    %lt3A_26 = arith.cmpi slt, %select_n3A_20, %lt3A_25 : i32
    %ne3A_27 = arith.xori %lt3A_24, %lt3A_26 : i1
    %and3A_28 = arith.andi %ne3A_27, %ne3A_23 : i1
    %add3A_29 = arith.addi %rem3A_21, %select_n3A_20 : i32
    %select_n3A_30 = arith.select %and3A_28, %add3A_29, %rem3A_21 : i32
    %mul3A_31 = arith.constant 512 : i32
    %mul3A_32 = arith.muli %select_n3A_30, %mul3A_31 : i32
    "tpu.region"() ({
      %run_scoped3A = tpu.sem_alloc : memref<!tpu.dma_semaphore, #tpu.memory_space<semaphore_mem>>
      %dma_start3A = arith.constant 0 : i32
      %dma_start3A_95 = tpu.memref_slice %arg2[%select_n3A, %mul3A_32, %dma_start3A] : memref<8x2056x11xi32, #tpu.memory_space<hbm>> -> memref<1x520x11xi32, #tpu.memory_space<hbm>>
      %dma_start3A_96 = tpu.memref_squeeze %dma_start3A_95 : memref<1x520x11xi32, #tpu.memory_space<hbm>> -> memref<520x11xi32, #tpu.memory_space<hbm>>
      %dma_start3A_97 = arith.constant 0 : i32
      %dma_start3A_98 = tpu.memref_slice %arg2[%select_n3A, %mul3A_32, %dma_start3A_97] : memref<8x2056x11xi32, #tpu.memory_space<hbm>> -> memref<1x520x11xi32, #tpu.memory_space<hbm>>
      %dma_start3A_99 = tpu.memref_squeeze %dma_start3A_98 : memref<1x520x11xi32, #tpu.memory_space<hbm>> -> memref<520x11xi32, #tpu.memory_space<hbm>>
      tpu.enqueue_dma source(%dma_start3A_99 : memref<520x11xi32, #tpu.memory_space<hbm>>) target(%arg6 : memref<520x11xi32, #tpu.memory_space<vmem>>) target_semaphore(%run_scoped3A : memref<!tpu.dma_semaphore, #tpu.memory_space<semaphore_mem>>)
      %dma_wait3A = arith.constant 0 : i32
      %dma_wait3A_100 = tpu.memref_slice %arg2[%select_n3A, %mul3A_32, %dma_wait3A] : memref<8x2056x11xi32, #tpu.memory_space<hbm>> -> memref<1x520x11xi32, #tpu.memory_space<hbm>>
      %dma_wait3A_101 = tpu.memref_squeeze %dma_wait3A_100 : memref<1x520x11xi32, #tpu.memory_space<hbm>> -> memref<520x11xi32, #tpu.memory_space<hbm>>
      %dma_wait3A_102 = arith.constant 0 : i32
      %dma_wait3A_103 = tpu.memref_slice %arg2[%select_n3A, %mul3A_32, %dma_wait3A_102] : memref<8x2056x11xi32, #tpu.memory_space<hbm>> -> memref<1x520x11xi32, #tpu.memory_space<hbm>>
      %dma_wait3A_104 = tpu.memref_squeeze %dma_wait3A_103 : memref<1x520x11xi32, #tpu.memory_space<hbm>> -> memref<520x11xi32, #tpu.memory_space<hbm>>
      tpu.wait_dma2 semaphore(%run_scoped3A : memref<!tpu.dma_semaphore, #tpu.memory_space<semaphore_mem>>) src(%dma_wait3A_104 : memref<520x11xi32, #tpu.memory_space<hbm>>) dst(%arg6 : memref<520x11xi32, #tpu.memory_space<vmem>>)
      tpu.yield
    }) : () -> ()
    "tpu.region"() ({
      %run_scoped3A = tpu.sem_alloc : memref<!tpu.dma_semaphore, #tpu.memory_space<semaphore_mem>>
      %dma_start3A = tpu.memref_slice %arg3[%select_n3A, %mul3A_32] : memref<8x2048xi32, #tpu.memory_space<hbm>> -> memref<1x512xi32, #tpu.memory_space<hbm>>
      %dma_start3A_95 = tpu.memref_squeeze %dma_start3A : memref<1x512xi32, #tpu.memory_space<hbm>> -> memref<512xi32, #tpu.memory_space<hbm>>
      %dma_start3A_96 = tpu.memref_slice %arg3[%select_n3A, %mul3A_32] : memref<8x2048xi32, #tpu.memory_space<hbm>> -> memref<1x512xi32, #tpu.memory_space<hbm>>
      %dma_start3A_97 = tpu.memref_squeeze %dma_start3A_96 : memref<1x512xi32, #tpu.memory_space<hbm>> -> memref<512xi32, #tpu.memory_space<hbm>>
      tpu.enqueue_dma source(%dma_start3A_97 : memref<512xi32, #tpu.memory_space<hbm>>) target(%arg7 : memref<512xi32, #tpu.memory_space<vmem>>) target_semaphore(%run_scoped3A : memref<!tpu.dma_semaphore, #tpu.memory_space<semaphore_mem>>)
      %dma_wait3A = tpu.memref_slice %arg3[%select_n3A, %mul3A_32] : memref<8x2048xi32, #tpu.memory_space<hbm>> -> memref<1x512xi32, #tpu.memory_space<hbm>>
      %dma_wait3A_98 = tpu.memref_squeeze %dma_wait3A : memref<1x512xi32, #tpu.memory_space<hbm>> -> memref<512xi32, #tpu.memory_space<hbm>>
      %dma_wait3A_99 = tpu.memref_slice %arg3[%select_n3A, %mul3A_32] : memref<8x2048xi32, #tpu.memory_space<hbm>> -> memref<1x512xi32, #tpu.memory_space<hbm>>
      %dma_wait3A_100 = tpu.memref_squeeze %dma_wait3A_99 : memref<1x512xi32, #tpu.memory_space<hbm>> -> memref<512xi32, #tpu.memory_space<hbm>>
      tpu.wait_dma2 semaphore(%run_scoped3A : memref<!tpu.dma_semaphore, #tpu.memory_space<semaphore_mem>>) src(%dma_wait3A_100 : memref<512xi32, #tpu.memory_space<hbm>>) dst(%arg7 : memref<512xi32, #tpu.memory_space<vmem>>)
      tpu.yield
    }) : () -> ()
    %iota3A = tpu.iota {dimensions = array<i32: 0>} : vector<16xi32>
    %scan3A = arith.constant 0 : i32
    %scan3A_33 = arith.constant 0 : i32
    %scan3A_34 = arith.constant 33 : i32
    %scan3A_35 = arith.addi %scan3A_33, %scan3A_34 : i32
    %scan3A_36 = arith.constant 1 : i32
    scf.for %scan3A_95 = %scan3A_33 to %scan3A_35 step %scan3A_36  : i32 {
      %mul3A_96 = arith.constant 16 : i32
      %mul3A_97 = arith.muli %scan3A_95, %mul3A_96 : i32
      %add3A_98 = vector.broadcast %mul3A_97 : i32 to vector<16xi32>
      %add3A_99 = arith.addi %iota3A, %add3A_98 : vector<16xi32>
      %min3A = arith.constant 512 : i32
      %min3A_100 = vector.broadcast %min3A : i32 to vector<16xi32>
      %min3A_101 = arith.minsi %add3A_99, %min3A_100 : vector<16xi32>
      %broadcast_in_dim3A_102 = arith.constant 0 : i32
      %broadcast_in_dim3A_103 = vector.broadcast %broadcast_in_dim3A_102 : i32 to vector<16xi32>
      %gather3A = tpu.vector_load_idx %arg6[%min3A_101, %broadcast_in_dim3A_103] : memref<520x11xi32, #tpu.memory_space<vmem>>[vector<16xi32>, vector<16xi32>], vector<16xi32>,
      %broadcast_in_dim3A_104 = arith.constant 6 : i32
      %broadcast_in_dim3A_105 = vector.broadcast %broadcast_in_dim3A_104 : i32 to vector<16xi32>
      %gather3A_106 = tpu.vector_load_idx %arg6[%min3A_101, %broadcast_in_dim3A_105] : memref<520x11xi32, #tpu.memory_space<vmem>>[vector<16xi32>, vector<16xi32>], vector<16xi32>,
      %eq3A_107 = arith.constant 1 : i32
      %eq3A_108 = vector.broadcast %eq3A_107 : i32 to vector<16xi32>
      %eq3A_109 = arith.cmpi eq, %gather3A, %eq3A_108 : vector<16xi32>
      %add3A_110 = arith.constant 84 : i32
      %add3A_111 = vector.broadcast %add3A_110 : i32 to vector<16xi32>
      %add3A_112 = arith.addi %gather3A_106, %add3A_111 : vector<16xi32>
      %jit3A_113 = arith.constant 255 : i32
      %broadcast_in_dim3A_114 = vector.broadcast %jit3A_113 : i32 to vector<16xi32>
      %select_n3A_115 = arith.select %eq3A_109, %add3A_112, %broadcast_in_dim3A_114 : vector<16xi1>, vector<16xi32>
      %mul3A_116 = arith.constant 16 : i32
      %mul3A_117 = arith.muli %scan3A_95, %mul3A_116 : i32
      %swap3A_118 = arith.index_cast %mul3A_117 : i32 to index
      %swap3A_119 = tpu.vector_load %arg8[%swap3A_118] {strides = array<i32>} : memref<528xi32, #tpu.memory_space<vmem>>, vector<16xi32>,
      tpu.vector_store %arg8[%swap3A_118], %select_n3A_115 {strides = array<i32>} : memref<528xi32, #tpu.memory_space<vmem>>, vector<16xi32>,
    }
    %scan3A_37 = arith.constant 33 : i32
    %scan3A_38 = arith.constant 0 : i32
    %scan3A_39 = arith.constant 0 : i32
    %scan3A_40 = arith.constant 16 : i32
    %scan3A_41 = arith.addi %scan3A_39, %scan3A_40 : i32
    %scan3A_42 = arith.constant 1 : i32
    scf.for %scan3A_95 = %scan3A_39 to %scan3A_41 step %scan3A_42  : i32 {
      %broadcast_in_dim3A_96 = arith.constant 1.000000e+00 : f32
      %broadcast_in_dim3A_97 = vector.broadcast %broadcast_in_dim3A_96 : f32 to vector<16xf32>
      %mul3A_98 = arith.constant 16 : i32
      %mul3A_99 = arith.muli %scan3A_95, %mul3A_98 : i32
      %swap3A_100 = arith.index_cast %mul3A_99 : i32 to index
      %swap3A_101 = tpu.vector_load %arg9[%swap3A_100] {strides = array<i32>} : memref<256xf32, #tpu.memory_space<vmem>>, vector<16xf32>,
      tpu.vector_store %arg9[%swap3A_100], %broadcast_in_dim3A_97 {strides = array<i32>} : memref<256xf32, #tpu.memory_space<vmem>>, vector<16xf32>,
    }
    %scan3A_43 = arith.constant 16 : i32
    %scan3A_44 = arith.constant 0 : i32
    %scan3A_45 = arith.constant 0 : i32
    %scan3A_46 = arith.constant 32 : i32
    %scan3A_47 = arith.addi %scan3A_45, %scan3A_46 : i32
    %scan3A_48 = arith.constant 1 : i32
    scf.for %scan3A_95 = %scan3A_45 to %scan3A_47 step %scan3A_48  : i32 {
      %mul3A_96 = arith.constant 16 : i32
      %mul3A_97 = arith.muli %scan3A_95, %mul3A_96 : i32
      %get3A_98 = arith.index_cast %mul3A_97 : i32 to index
      %get3A_99 = tpu.vector_load %arg8[%get3A_98] {strides = array<i32>} : memref<528xi32, #tpu.memory_space<vmem>>, vector<16xi32>,
      %broadcast_in_dim3A_100 = arith.constant 0.000000e+00 : f32
      %broadcast_in_dim3A_101 = vector.broadcast %broadcast_in_dim3A_100 : f32 to vector<16xf32>
      tpu.vector_store_idx %arg9[%get3A_99], %broadcast_in_dim3A_101 : memref<256xf32, #tpu.memory_space<vmem>>[vector<16xi32>], vector<16xf32>,
    }
    %scan3A_49 = arith.constant 32 : i32
    %broadcast_in_dim3A = arith.constant 0 : i32
    %broadcast_in_dim3A_50 = vector.broadcast %broadcast_in_dim3A : i32 to vector<16xi32>
    %scan3A_51 = arith.constant 0 : i32
    %scan3A_52 = arith.constant 8 : i32
    %scan3A_53 = arith.addi %scan3A_51, %scan3A_52 : i32
    %scan3A_54 = arith.constant 1 : i32
    %scan3A_55 = scf.for %scan3A_95 = %scan3A_51 to %scan3A_53 step %scan3A_54 iter_args(%scan3A_96 = %broadcast_in_dim3A_50) -> (vector<16xi32>)  : i32 {
      %mul3A_97 = arith.constant 32 : i32
      %mul3A_98 = arith.muli %scan3A_95, %mul3A_97 : i32
      %get3A_99 = arith.index_cast %mul3A_98 : i32 to index
      %get3A_100 = tpu.vector_load %arg9[%get3A_99] {strides = array<i32>} : memref<256xf32, #tpu.memory_space<vmem>>, vector<16xf32>,
      %mul3A_101 = arith.constant 32 : i32
      %mul3A_102 = arith.muli %scan3A_95, %mul3A_101 : i32
      %add3A_103 = arith.constant 16 : i32
      %add3A_104 = arith.addi %mul3A_102, %add3A_103 : i32
      %get3A_105 = arith.index_cast %add3A_104 : i32 to index
      %get3A_106 = tpu.vector_load %arg9[%get3A_105] {strides = array<i32>} : memref<256xf32, #tpu.memory_space<vmem>>, vector<16xf32>,
      %eq3A_107 = arith.constant 0.000000e+00 : f32
      %eq3A_108 = vector.broadcast %eq3A_107 : f32 to vector<16xf32>
      %eq3A_109 = arith.cmpf oeq, %get3A_100, %eq3A_108 : vector<16xf32>
      %shift_left3A_110 = arith.constant 1 : i32
      %shift_left3A_111 = vector.broadcast %shift_left3A_110 : i32 to vector<16xi32>
      %shift_left3A_112 = arith.shli %shift_left3A_111, %iota3A : vector<16xi32>
      %jit3A_113 = arith.constant 0 : i32
      %broadcast_in_dim3A_114 = vector.broadcast %jit3A_113 : i32 to vector<16xi32>
      %select_n3A_115 = arith.select %eq3A_109, %shift_left3A_112, %broadcast_in_dim3A_114 : vector<16xi1>, vector<16xi32>
      %reduce_sum3A = arith.constant true
      %reduce_sum3A_116 = vector.broadcast %reduce_sum3A : i1 to vector<16xi1>
      %reduce_sum3A_117 = tpu.scan <sum>, %select_n3A_115 masked %reduce_sum3A_116 : vector<16xi32>, vector<16xi1> -> vector<16xi32>
      %reduce_sum3A_118 = vector.extract %reduce_sum3A_117[15] : i32 from vector<16xi32>
      %eq3A_119 = arith.constant 0.000000e+00 : f32
      %eq3A_120 = vector.broadcast %eq3A_119 : f32 to vector<16xf32>
      %eq3A_121 = arith.cmpf oeq, %get3A_106, %eq3A_120 : vector<16xf32>
      %shift_left3A_122 = arith.constant 1 : i32
      %shift_left3A_123 = vector.broadcast %shift_left3A_122 : i32 to vector<16xi32>
      %shift_left3A_124 = arith.shli %shift_left3A_123, %iota3A : vector<16xi32>
      %jit3A_125 = arith.constant 0 : i32
      %broadcast_in_dim3A_126 = vector.broadcast %jit3A_125 : i32 to vector<16xi32>
      %select_n3A_127 = arith.select %eq3A_121, %shift_left3A_124, %broadcast_in_dim3A_126 : vector<16xi1>, vector<16xi32>
      %reduce_sum3A_128 = arith.constant true
      %reduce_sum3A_129 = vector.broadcast %reduce_sum3A_128 : i1 to vector<16xi1>
      %reduce_sum3A_130 = tpu.scan <sum>, %select_n3A_127 masked %reduce_sum3A_129 : vector<16xi32>, vector<16xi1> -> vector<16xi32>
      %reduce_sum3A_131 = vector.extract %reduce_sum3A_130[15] : i32 from vector<16xi32>
      %shift_left3A_132 = arith.constant 16 : i32
      %shift_left3A_133 = arith.shli %reduce_sum3A_131, %shift_left3A_132 : i32
      %or3A_134 = arith.ori %reduce_sum3A_118, %shift_left3A_133 : i32
      %eq3A_135 = vector.broadcast %scan3A_95 : i32 to vector<16xi32>
      %eq3A_136 = arith.cmpi eq, %iota3A, %eq3A_135 : vector<16xi32>
      %jit3A_137 = arith.constant 0 : i32
      %broadcast_in_dim3A_138 = vector.broadcast %or3A_134 : i32 to vector<16xi32>
      %broadcast_in_dim3A_139 = vector.broadcast %jit3A_137 : i32 to vector<16xi32>
      %select_n3A_140 = arith.select %eq3A_136, %broadcast_in_dim3A_138, %broadcast_in_dim3A_139 : vector<16xi1>, vector<16xi32>
      %or3A_141 = arith.ori %scan3A_96, %select_n3A_140 : vector<16xi32>
      scf.yield %or3A_141 : vector<16xi32>
    }
    %scan3A_56 = arith.constant 8 : i32
    %swap3A = arith.constant 0 : index
    %swap3A_57 = tpu.vector_load %arg10[%swap3A] {strides = array<i32>} : memref<16xi32, #tpu.memory_space<vmem>>, vector<16xi32>,
    tpu.vector_store %arg10[%swap3A], %scan3A_55 {strides = array<i32>} : memref<16xi32, #tpu.memory_space<vmem>>, vector<16xi32>,
    "tpu.region"() ({
      %run_scoped3A = tpu.sem_alloc : memref<!tpu.dma_semaphore, #tpu.memory_space<semaphore_mem>>
      %dma_start3A = arith.constant 0 : i32
      %dma_start3A_95 = tpu.memref_slice %arg5[%add3A, %dma_start3A] : memref<32x16xi32, #tpu.memory_space<hbm>> -> memref<1x16xi32, #tpu.memory_space<hbm>>
      %dma_start3A_96 = tpu.memref_squeeze %dma_start3A_95 : memref<1x16xi32, #tpu.memory_space<hbm>> -> memref<16xi32, #tpu.memory_space<hbm>>
      %dma_start3A_97 = arith.constant 0 : i32
      %dma_start3A_98 = tpu.memref_slice %arg5[%add3A, %dma_start3A_97] : memref<32x16xi32, #tpu.memory_space<hbm>> -> memref<1x16xi32, #tpu.memory_space<hbm>>
      %dma_start3A_99 = tpu.memref_squeeze %dma_start3A_98 : memref<1x16xi32, #tpu.memory_space<hbm>> -> memref<16xi32, #tpu.memory_space<hbm>>
      tpu.enqueue_dma source(%arg10 : memref<16xi32, #tpu.memory_space<vmem>>) target(%dma_start3A_99 : memref<16xi32, #tpu.memory_space<hbm>>) target_semaphore(%run_scoped3A : memref<!tpu.dma_semaphore, #tpu.memory_space<semaphore_mem>>)
      %dma_wait3A = arith.constant 0 : i32
      %dma_wait3A_100 = tpu.memref_slice %arg5[%add3A, %dma_wait3A] : memref<32x16xi32, #tpu.memory_space<hbm>> -> memref<1x16xi32, #tpu.memory_space<hbm>>
      %dma_wait3A_101 = tpu.memref_squeeze %dma_wait3A_100 : memref<1x16xi32, #tpu.memory_space<hbm>> -> memref<16xi32, #tpu.memory_space<hbm>>
      %dma_wait3A_102 = arith.constant 0 : i32
      %dma_wait3A_103 = tpu.memref_slice %arg5[%add3A, %dma_wait3A_102] : memref<32x16xi32, #tpu.memory_space<hbm>> -> memref<1x16xi32, #tpu.memory_space<hbm>>
      %dma_wait3A_104 = tpu.memref_squeeze %dma_wait3A_103 : memref<1x16xi32, #tpu.memory_space<hbm>> -> memref<16xi32, #tpu.memory_space<hbm>>
      tpu.wait_dma2 semaphore(%run_scoped3A : memref<!tpu.dma_semaphore, #tpu.memory_space<semaphore_mem>>) src(%arg10 : memref<16xi32, #tpu.memory_space<vmem>>) dst(%dma_wait3A_104 : memref<16xi32, #tpu.memory_space<hbm>>)
      tpu.yield
    }) : () -> ()
    %barrier3A = arith.constant 0 : index
    tpu.barrier barrier_id(%barrier3A)
    %broadcast_in_dim3A_58 = arith.constant 0 : i32
    %broadcast_in_dim3A_59 = vector.broadcast %broadcast_in_dim3A_58 : i32 to vector<16xi32>
    %swap3A_60 = arith.constant 0 : index
    %swap3A_61 = tpu.vector_load %arg12[%swap3A_60] {strides = array<i32>} : memref<16xi32, #tpu.memory_space<vmem>>, vector<16xi32>,
    tpu.vector_store %arg12[%swap3A_60], %broadcast_in_dim3A_59 {strides = array<i32>} : memref<16xi32, #tpu.memory_space<vmem>>, vector<16xi32>,
    %gt3A = arith.constant 0 : i32
    %gt3A_62 = arith.cmpi sgt, %select_n3A_30, %gt3A : i32
    %convert_element_type3A = arith.extui %gt3A_62 : i1 to i32
    %cond3A = arith.constant 0 : i32
    %cond3A_63 = arith.cmpi ne, %convert_element_type3A, %cond3A : i32
    scf.if %cond3A_63 {
      %mul3A_95 = arith.constant 4 : i32
      %mul3A_96 = arith.muli %select_n3A, %mul3A_95 : i32
      %add3A_97 = arith.constant 0 : i32
      %add3A_98 = arith.addi %mul3A_96, %add3A_97 : i32
      "tpu.region"() ({
        %run_scoped3A = tpu.sem_alloc : memref<!tpu.dma_semaphore, #tpu.memory_space<semaphore_mem>>
        %dma_start3A = arith.constant 0 : i32
        %dma_start3A_106 = tpu.memref_slice %arg5[%add3A_98, %dma_start3A] : memref<32x16xi32, #tpu.memory_space<hbm>> -> memref<1x16xi32, #tpu.memory_space<hbm>>
        %dma_start3A_107 = tpu.memref_squeeze %dma_start3A_106 : memref<1x16xi32, #tpu.memory_space<hbm>> -> memref<16xi32, #tpu.memory_space<hbm>>
        %dma_start3A_108 = arith.constant 0 : i32
        %dma_start3A_109 = tpu.memref_slice %arg5[%add3A_98, %dma_start3A_108] : memref<32x16xi32, #tpu.memory_space<hbm>> -> memref<1x16xi32, #tpu.memory_space<hbm>>
        %dma_start3A_110 = tpu.memref_squeeze %dma_start3A_109 : memref<1x16xi32, #tpu.memory_space<hbm>> -> memref<16xi32, #tpu.memory_space<hbm>>
        tpu.enqueue_dma source(%dma_start3A_110 : memref<16xi32, #tpu.memory_space<hbm>>) target(%arg11 : memref<16xi32, #tpu.memory_space<vmem>>) target_semaphore(%run_scoped3A : memref<!tpu.dma_semaphore, #tpu.memory_space<semaphore_mem>>)
        %dma_wait3A = arith.constant 0 : i32
        %dma_wait3A_111 = tpu.memref_slice %arg5[%add3A_98, %dma_wait3A] : memref<32x16xi32, #tpu.memory_space<hbm>> -> memref<1x16xi32, #tpu.memory_space<hbm>>
        %dma_wait3A_112 = tpu.memref_squeeze %dma_wait3A_111 : memref<1x16xi32, #tpu.memory_space<hbm>> -> memref<16xi32, #tpu.memory_space<hbm>>
        %dma_wait3A_113 = arith.constant 0 : i32
        %dma_wait3A_114 = tpu.memref_slice %arg5[%add3A_98, %dma_wait3A_113] : memref<32x16xi32, #tpu.memory_space<hbm>> -> memref<1x16xi32, #tpu.memory_space<hbm>>
        %dma_wait3A_115 = tpu.memref_squeeze %dma_wait3A_114 : memref<1x16xi32, #tpu.memory_space<hbm>> -> memref<16xi32, #tpu.memory_space<hbm>>
        tpu.wait_dma2 semaphore(%run_scoped3A : memref<!tpu.dma_semaphore, #tpu.memory_space<semaphore_mem>>) src(%dma_wait3A_115 : memref<16xi32, #tpu.memory_space<hbm>>) dst(%arg11 : memref<16xi32, #tpu.memory_space<vmem>>)
        tpu.yield
      }) : () -> ()
      %get3A_99 = arith.constant 0 : index
      %get3A_100 = tpu.vector_load %arg12[%get3A_99] {strides = array<i32>} : memref<16xi32, #tpu.memory_space<vmem>>, vector<16xi32>,
      %get3A_101 = arith.constant 0 : index
      %get3A_102 = tpu.vector_load %arg11[%get3A_101] {strides = array<i32>} : memref<16xi32, #tpu.memory_space<vmem>>, vector<16xi32>,
      %or3A_103 = arith.ori %get3A_100, %get3A_102 : vector<16xi32>
      %swap3A_104 = arith.constant 0 : index
      %swap3A_105 = tpu.vector_load %arg12[%swap3A_104] {strides = array<i32>} : memref<16xi32, #tpu.memory_space<vmem>>, vector<16xi32>,
      tpu.vector_store %arg12[%swap3A_104], %or3A_103 {strides = array<i32>} : memref<16xi32, #tpu.memory_space<vmem>>, vector<16xi32>,
    } else {
    }
    %gt3A_64 = arith.constant 1 : i32
    %gt3A_65 = arith.cmpi sgt, %select_n3A_30, %gt3A_64 : i32
    %convert_element_type3A_66 = arith.extui %gt3A_65 : i1 to i32
    %cond3A_67 = arith.constant 0 : i32
    %cond3A_68 = arith.cmpi ne, %convert_element_type3A_66, %cond3A_67 : i32
    scf.if %cond3A_68 {
      %mul3A_95 = arith.constant 4 : i32
      %mul3A_96 = arith.muli %select_n3A, %mul3A_95 : i32
      %add3A_97 = arith.constant 1 : i32
      %add3A_98 = arith.addi %mul3A_96, %add3A_97 : i32
      "tpu.region"() ({
        %run_scoped3A = tpu.sem_alloc : memref<!tpu.dma_semaphore, #tpu.memory_space<semaphore_mem>>
        %dma_start3A = arith.constant 0 : i32
        %dma_start3A_106 = tpu.memref_slice %arg5[%add3A_98, %dma_start3A] : memref<32x16xi32, #tpu.memory_space<hbm>> -> memref<1x16xi32, #tpu.memory_space<hbm>>
        %dma_start3A_107 = tpu.memref_squeeze %dma_start3A_106 : memref<1x16xi32, #tpu.memory_space<hbm>> -> memref<16xi32, #tpu.memory_space<hbm>>
        %dma_start3A_108 = arith.constant 0 : i32
        %dma_start3A_109 = tpu.memref_slice %arg5[%add3A_98, %dma_start3A_108] : memref<32x16xi32, #tpu.memory_space<hbm>> -> memref<1x16xi32, #tpu.memory_space<hbm>>
        %dma_start3A_110 = tpu.memref_squeeze %dma_start3A_109 : memref<1x16xi32, #tpu.memory_space<hbm>> -> memref<16xi32, #tpu.memory_space<hbm>>
        tpu.enqueue_dma source(%dma_start3A_110 : memref<16xi32, #tpu.memory_space<hbm>>) target(%arg11 : memref<16xi32, #tpu.memory_space<vmem>>) target_semaphore(%run_scoped3A : memref<!tpu.dma_semaphore, #tpu.memory_space<semaphore_mem>>)
        %dma_wait3A = arith.constant 0 : i32
        %dma_wait3A_111 = tpu.memref_slice %arg5[%add3A_98, %dma_wait3A] : memref<32x16xi32, #tpu.memory_space<hbm>> -> memref<1x16xi32, #tpu.memory_space<hbm>>
        %dma_wait3A_112 = tpu.memref_squeeze %dma_wait3A_111 : memref<1x16xi32, #tpu.memory_space<hbm>> -> memref<16xi32, #tpu.memory_space<hbm>>
        %dma_wait3A_113 = arith.constant 0 : i32
        %dma_wait3A_114 = tpu.memref_slice %arg5[%add3A_98, %dma_wait3A_113] : memref<32x16xi32, #tpu.memory_space<hbm>> -> memref<1x16xi32, #tpu.memory_space<hbm>>
        %dma_wait3A_115 = tpu.memref_squeeze %dma_wait3A_114 : memref<1x16xi32, #tpu.memory_space<hbm>> -> memref<16xi32, #tpu.memory_space<hbm>>
        tpu.wait_dma2 semaphore(%run_scoped3A : memref<!tpu.dma_semaphore, #tpu.memory_space<semaphore_mem>>) src(%dma_wait3A_115 : memref<16xi32, #tpu.memory_space<hbm>>) dst(%arg11 : memref<16xi32, #tpu.memory_space<vmem>>)
        tpu.yield
      }) : () -> ()
      %get3A_99 = arith.constant 0 : index
      %get3A_100 = tpu.vector_load %arg12[%get3A_99] {strides = array<i32>} : memref<16xi32, #tpu.memory_space<vmem>>, vector<16xi32>,
      %get3A_101 = arith.constant 0 : index
      %get3A_102 = tpu.vector_load %arg11[%get3A_101] {strides = array<i32>} : memref<16xi32, #tpu.memory_space<vmem>>, vector<16xi32>,
      %or3A_103 = arith.ori %get3A_100, %get3A_102 : vector<16xi32>
      %swap3A_104 = arith.constant 0 : index
      %swap3A_105 = tpu.vector_load %arg12[%swap3A_104] {strides = array<i32>} : memref<16xi32, #tpu.memory_space<vmem>>, vector<16xi32>,
      tpu.vector_store %arg12[%swap3A_104], %or3A_103 {strides = array<i32>} : memref<16xi32, #tpu.memory_space<vmem>>, vector<16xi32>,
    } else {
    }
    %gt3A_69 = arith.constant 2 : i32
    %gt3A_70 = arith.cmpi sgt, %select_n3A_30, %gt3A_69 : i32
    %convert_element_type3A_71 = arith.extui %gt3A_70 : i1 to i32
    %cond3A_72 = arith.constant 0 : i32
    %cond3A_73 = arith.cmpi ne, %convert_element_type3A_71, %cond3A_72 : i32
    scf.if %cond3A_73 {
      %mul3A_95 = arith.constant 4 : i32
      %mul3A_96 = arith.muli %select_n3A, %mul3A_95 : i32
      %add3A_97 = arith.constant 2 : i32
      %add3A_98 = arith.addi %mul3A_96, %add3A_97 : i32
      "tpu.region"() ({
        %run_scoped3A = tpu.sem_alloc : memref<!tpu.dma_semaphore, #tpu.memory_space<semaphore_mem>>
        %dma_start3A = arith.constant 0 : i32
        %dma_start3A_106 = tpu.memref_slice %arg5[%add3A_98, %dma_start3A] : memref<32x16xi32, #tpu.memory_space<hbm>> -> memref<1x16xi32, #tpu.memory_space<hbm>>
        %dma_start3A_107 = tpu.memref_squeeze %dma_start3A_106 : memref<1x16xi32, #tpu.memory_space<hbm>> -> memref<16xi32, #tpu.memory_space<hbm>>
        %dma_start3A_108 = arith.constant 0 : i32
        %dma_start3A_109 = tpu.memref_slice %arg5[%add3A_98, %dma_start3A_108] : memref<32x16xi32, #tpu.memory_space<hbm>> -> memref<1x16xi32, #tpu.memory_space<hbm>>
        %dma_start3A_110 = tpu.memref_squeeze %dma_start3A_109 : memref<1x16xi32, #tpu.memory_space<hbm>> -> memref<16xi32, #tpu.memory_space<hbm>>
        tpu.enqueue_dma source(%dma_start3A_110 : memref<16xi32, #tpu.memory_space<hbm>>) target(%arg11 : memref<16xi32, #tpu.memory_space<vmem>>) target_semaphore(%run_scoped3A : memref<!tpu.dma_semaphore, #tpu.memory_space<semaphore_mem>>)
        %dma_wait3A = arith.constant 0 : i32
        %dma_wait3A_111 = tpu.memref_slice %arg5[%add3A_98, %dma_wait3A] : memref<32x16xi32, #tpu.memory_space<hbm>> -> memref<1x16xi32, #tpu.memory_space<hbm>>
        %dma_wait3A_112 = tpu.memref_squeeze %dma_wait3A_111 : memref<1x16xi32, #tpu.memory_space<hbm>> -> memref<16xi32, #tpu.memory_space<hbm>>
        %dma_wait3A_113 = arith.constant 0 : i32
        %dma_wait3A_114 = tpu.memref_slice %arg5[%add3A_98, %dma_wait3A_113] : memref<32x16xi32, #tpu.memory_space<hbm>> -> memref<1x16xi32, #tpu.memory_space<hbm>>
        %dma_wait3A_115 = tpu.memref_squeeze %dma_wait3A_114 : memref<1x16xi32, #tpu.memory_space<hbm>> -> memref<16xi32, #tpu.memory_space<hbm>>
        tpu.wait_dma2 semaphore(%run_scoped3A : memref<!tpu.dma_semaphore, #tpu.memory_space<semaphore_mem>>) src(%dma_wait3A_115 : memref<16xi32, #tpu.memory_space<hbm>>) dst(%arg11 : memref<16xi32, #tpu.memory_space<vmem>>)
        tpu.yield
      }) : () -> ()
      %get3A_99 = arith.constant 0 : index
      %get3A_100 = tpu.vector_load %arg12[%get3A_99] {strides = array<i32>} : memref<16xi32, #tpu.memory_space<vmem>>, vector<16xi32>,
      %get3A_101 = arith.constant 0 : index
      %get3A_102 = tpu.vector_load %arg11[%get3A_101] {strides = array<i32>} : memref<16xi32, #tpu.memory_space<vmem>>, vector<16xi32>,
      %or3A_103 = arith.ori %get3A_100, %get3A_102 : vector<16xi32>
      %swap3A_104 = arith.constant 0 : index
      %swap3A_105 = tpu.vector_load %arg12[%swap3A_104] {strides = array<i32>} : memref<16xi32, #tpu.memory_space<vmem>>, vector<16xi32>,
      tpu.vector_store %arg12[%swap3A_104], %or3A_103 {strides = array<i32>} : memref<16xi32, #tpu.memory_space<vmem>>, vector<16xi32>,
    } else {
    }
    %get3A = arith.constant 0 : index
    %get3A_74 = tpu.vector_load %arg8[%get3A] {strides = array<i32>} : memref<528xi32, #tpu.memory_space<vmem>>, vector<16xi32>,
    %slice3A = vector.extract_strided_slice %get3A_74 {offsets = [0], sizes = [1], strides = [1]} : vector<16xi32> to vector<1xi32>
    %squeeze3A = vector.extract %slice3A[0] : i32 from vector<1xi32>
    %get3A_75 = arith.constant 0 : index
    %get3A_76 = tpu.vector_load %arg12[%get3A_75] {strides = array<i32>} : memref<16xi32, #tpu.memory_space<vmem>>, vector<16xi32>,
    %shift_right_arithmetic3A = arith.constant 5 : i32
    %shift_right_arithmetic3A_77 = arith.shrsi %squeeze3A, %shift_right_arithmetic3A : i32
    %eq3A_78 = vector.broadcast %shift_right_arithmetic3A_77 : i32 to vector<16xi32>
    %eq3A_79 = arith.cmpi eq, %iota3A, %eq3A_78 : vector<16xi32>
    %and3A_80 = arith.constant 31 : i32
    %and3A_81 = arith.andi %squeeze3A, %and3A_80 : i32
    %shift_left3A = arith.constant 1 : i32
    %shift_left3A_82 = arith.shli %shift_left3A, %and3A_81 : i32
    %jit3A_83 = arith.constant 0 : i32
    %broadcast_in_dim3A_84 = vector.broadcast %shift_left3A_82 : i32 to vector<16xi32>
    %broadcast_in_dim3A_85 = vector.broadcast %jit3A_83 : i32 to vector<16xi32>
    %select_n3A_86 = arith.select %eq3A_79, %broadcast_in_dim3A_84, %broadcast_in_dim3A_85 : vector<16xi1>, vector<16xi32>
    %or3A = arith.ori %get3A_76, %select_n3A_86 : vector<16xi32>
    %scan3A_87 = arith.constant 0 : i32
    %scan3A_88 = arith.constant 32 : i32
    %scan3A_89 = arith.addi %scan3A_87, %scan3A_88 : i32
    %scan3A_90 = arith.constant 1 : i32
    %scan3A_91 = scf.for %scan3A_95 = %scan3A_87 to %scan3A_89 step %scan3A_90 iter_args(%scan3A_96 = %or3A) -> (vector<16xi32>)  : i32 {
      %mul3A_97 = arith.constant 16 : i32
      %mul3A_98 = arith.muli %scan3A_95, %mul3A_97 : i32
      %add3A_99 = arith.constant 1 : i32
      %add3A_100 = arith.addi %mul3A_98, %add3A_99 : i32
      %get3A_101 = arith.index_cast %add3A_100 : i32 to index
      %get3A_102 = tpu.vector_load %arg8[%get3A_101] {strides = array<i32>} : memref<528xi32, #tpu.memory_space<vmem>>, vector<16xi32>,
      %mul3A_103 = arith.constant 16 : i32
      %mul3A_104 = arith.muli %scan3A_95, %mul3A_103 : i32
      %get3A_105 = arith.index_cast %mul3A_104 : i32 to index
      %get3A_106 = tpu.vector_load %arg7[%get3A_105] {strides = array<i32>} : memref<512xi32, #tpu.memory_space<vmem>>, vector<16xi32>,
      %slice3A_107 = vector.extract_strided_slice %get3A_102 {offsets = [0], sizes = [1], strides = [1]} : vector<16xi32> to vector<1xi32>
      %squeeze3A_108 = vector.extract %slice3A_107[0] : i32 from vector<1xi32>
      %shift_right_arithmetic3A_109 = arith.constant 5 : i32
      %shift_right_arithmetic3A_110 = arith.shrsi %squeeze3A_108, %shift_right_arithmetic3A_109 : i32
      %eq3A_111 = vector.broadcast %shift_right_arithmetic3A_110 : i32 to vector<16xi32>
      %eq3A_112 = arith.cmpi eq, %iota3A, %eq3A_111 : vector<16xi32>
      %and3A_113 = arith.constant 31 : i32
      %and3A_114 = arith.andi %squeeze3A_108, %and3A_113 : i32
      %shift_left3A_115 = arith.constant 1 : i32
      %shift_left3A_116 = arith.shli %shift_left3A_115, %and3A_114 : i32
      %jit3A_117 = arith.constant 0 : i32
      %broadcast_in_dim3A_118 = vector.broadcast %shift_left3A_116 : i32 to vector<16xi32>
      %broadcast_in_dim3A_119 = vector.broadcast %jit3A_117 : i32 to vector<16xi32>
      %select_n3A_120 = arith.select %eq3A_112, %broadcast_in_dim3A_118, %broadcast_in_dim3A_119 : vector<16xi1>, vector<16xi32>
      %or3A_121 = arith.ori %scan3A_96, %select_n3A_120 : vector<16xi32>
      %slice3A_122 = vector.extract_strided_slice %get3A_106 {offsets = [0], sizes = [1], strides = [1]} : vector<16xi32> to vector<1xi32>
      %squeeze3A_123 = vector.extract %slice3A_122[0] : i32 from vector<1xi32>
      %broadcast_in_dim3A_124 = vector.broadcast %squeeze3A_123 : i32 to vector<16xi32>
      %eq3A_125 = arith.constant 1 : i32
      %eq3A_126 = vector.broadcast %eq3A_125 : i32 to vector<16xi32>
      %eq3A_127 = arith.cmpi eq, %broadcast_in_dim3A_124, %eq3A_126 : vector<16xi32>
      %broadcast_in_dim3A_128 = arith.constant 0 : i32
      %broadcast_in_dim3A_129 = vector.broadcast %broadcast_in_dim3A_128 : i32 to vector<16xi32>
      %select_n3A_130 = arith.select %eq3A_127, %or3A_121, %broadcast_in_dim3A_129 : vector<16xi1>, vector<16xi32>
      %mul3A_131 = arith.constant 16 : i32
      %mul3A_132 = arith.muli %scan3A_95, %mul3A_131 : i32
      %add3A_133 = arith.constant 0 : i32
      %add3A_134 = arith.addi %mul3A_132, %add3A_133 : i32
      %mul3A_135 = arith.constant 16 : i32
      %mul3A_136 = arith.muli %add3A_134, %mul3A_135 : i32
      %swap3A_137 = arith.index_cast %mul3A_136 : i32 to index
      %swap3A_138 = tpu.vector_load %arg13[%swap3A_137] {strides = array<i32>} : memref<8192xi32, #tpu.memory_space<vmem>>, vector<16xi32>,
      tpu.vector_store %arg13[%swap3A_137], %select_n3A_130 {strides = array<i32>} : memref<8192xi32, #tpu.memory_space<vmem>>, vector<16xi32>,
      %slice3A_139 = vector.extract_strided_slice %get3A_102 {offsets = [1], sizes = [1], strides = [1]} : vector<16xi32> to vector<1xi32>
      %squeeze3A_140 = vector.extract %slice3A_139[0] : i32 from vector<1xi32>
      %shift_right_arithmetic3A_141 = arith.constant 5 : i32
      %shift_right_arithmetic3A_142 = arith.shrsi %squeeze3A_140, %shift_right_arithmetic3A_141 : i32
      %eq3A_143 = vector.broadcast %shift_right_arithmetic3A_142 : i32 to vector<16xi32>
      %eq3A_144 = arith.cmpi eq, %iota3A, %eq3A_143 : vector<16xi32>
      %and3A_145 = arith.constant 31 : i32
      %and3A_146 = arith.andi %squeeze3A_140, %and3A_145 : i32
      %shift_left3A_147 = arith.constant 1 : i32
      %shift_left3A_148 = arith.shli %shift_left3A_147, %and3A_146 : i32
      %jit3A_149 = arith.constant 0 : i32
      %broadcast_in_dim3A_150 = vector.broadcast %shift_left3A_148 : i32 to vector<16xi32>
      %broadcast_in_dim3A_151 = vector.broadcast %jit3A_149 : i32 to vector<16xi32>
      %select_n3A_152 = arith.select %eq3A_144, %broadcast_in_dim3A_150, %broadcast_in_dim3A_151 : vector<16xi1>, vector<16xi32>
      %or3A_153 = arith.ori %or3A_121, %select_n3A_152 : vector<16xi32>
      %slice3A_154 = vector.extract_strided_slice %get3A_106 {offsets = [1], sizes = [1], strides = [1]} : vector<16xi32> to vector<1xi32>
      %squeeze3A_155 = vector.extract %slice3A_154[0] : i32 from vector<1xi32>
      %broadcast_in_dim3A_156 = vector.broadcast %squeeze3A_155 : i32 to vector<16xi32>
      %eq3A_157 = arith.constant 1 : i32
      %eq3A_158 = vector.broadcast %eq3A_157 : i32 to vector<16xi32>
      %eq3A_159 = arith.cmpi eq, %broadcast_in_dim3A_156, %eq3A_158 : vector<16xi32>
      %broadcast_in_dim3A_160 = arith.constant 0 : i32
      %broadcast_in_dim3A_161 = vector.broadcast %broadcast_in_dim3A_160 : i32 to vector<16xi32>
      %select_n3A_162 = arith.select %eq3A_159, %or3A_153, %broadcast_in_dim3A_161 : vector<16xi1>, vector<16xi32>
      %mul3A_163 = arith.constant 16 : i32
      %mul3A_164 = arith.muli %scan3A_95, %mul3A_163 : i32
      %add3A_165 = arith.constant 1 : i32
      %add3A_166 = arith.addi %mul3A_164, %add3A_165 : i32
      %mul3A_167 = arith.constant 16 : i32
      %mul3A_168 = arith.muli %add3A_166, %mul3A_167 : i32
      %swap3A_169 = arith.index_cast %mul3A_168 : i32 to index
      %swap3A_170 = tpu.vector_load %arg13[%swap3A_169] {strides = array<i32>} : memref<8192xi32, #tpu.memory_space<vmem>>, vector<16xi32>,
      tpu.vector_store %arg13[%swap3A_169], %select_n3A_162 {strides = array<i32>} : memref<8192xi32, #tpu.memory_space<vmem>>, vector<16xi32>,
      %slice3A_171 = vector.extract_strided_slice %get3A_102 {offsets = [2], sizes = [1], strides = [1]} : vector<16xi32> to vector<1xi32>
      %squeeze3A_172 = vector.extract %slice3A_171[0] : i32 from vector<1xi32>
      %shift_right_arithmetic3A_173 = arith.constant 5 : i32
      %shift_right_arithmetic3A_174 = arith.shrsi %squeeze3A_172, %shift_right_arithmetic3A_173 : i32
      %eq3A_175 = vector.broadcast %shift_right_arithmetic3A_174 : i32 to vector<16xi32>
      %eq3A_176 = arith.cmpi eq, %iota3A, %eq3A_175 : vector<16xi32>
      %and3A_177 = arith.constant 31 : i32
      %and3A_178 = arith.andi %squeeze3A_172, %and3A_177 : i32
      %shift_left3A_179 = arith.constant 1 : i32
      %shift_left3A_180 = arith.shli %shift_left3A_179, %and3A_178 : i32
      %jit3A_181 = arith.constant 0 : i32
      %broadcast_in_dim3A_182 = vector.broadcast %shift_left3A_180 : i32 to vector<16xi32>
      %broadcast_in_dim3A_183 = vector.broadcast %jit3A_181 : i32 to vector<16xi32>
      %select_n3A_184 = arith.select %eq3A_176, %broadcast_in_dim3A_182, %broadcast_in_dim3A_183 : vector<16xi1>, vector<16xi32>
      %or3A_185 = arith.ori %or3A_153, %select_n3A_184 : vector<16xi32>
      %slice3A_186 = vector.extract_strided_slice %get3A_106 {offsets = [2], sizes = [1], strides = [1]} : vector<16xi32> to vector<1xi32>
      %squeeze3A_187 = vector.extract %slice3A_186[0] : i32 from vector<1xi32>
      %broadcast_in_dim3A_188 = vector.broadcast %squeeze3A_187 : i32 to vector<16xi32>
      %eq3A_189 = arith.constant 1 : i32
      %eq3A_190 = vector.broadcast %eq3A_189 : i32 to vector<16xi32>
      %eq3A_191 = arith.cmpi eq, %broadcast_in_dim3A_188, %eq3A_190 : vector<16xi32>
      %broadcast_in_dim3A_192 = arith.constant 0 : i32
      %broadcast_in_dim3A_193 = vector.broadcast %broadcast_in_dim3A_192 : i32 to vector<16xi32>
      %select_n3A_194 = arith.select %eq3A_191, %or3A_185, %broadcast_in_dim3A_193 : vector<16xi1>, vector<16xi32>
      %mul3A_195 = arith.constant 16 : i32
      %mul3A_196 = arith.muli %scan3A_95, %mul3A_195 : i32
      %add3A_197 = arith.constant 2 : i32
      %add3A_198 = arith.addi %mul3A_196, %add3A_197 : i32
      %mul3A_199 = arith.constant 16 : i32
      %mul3A_200 = arith.muli %add3A_198, %mul3A_199 : i32
      %swap3A_201 = arith.index_cast %mul3A_200 : i32 to index
      %swap3A_202 = tpu.vector_load %arg13[%swap3A_201] {strides = array<i32>} : memref<8192xi32, #tpu.memory_space<vmem>>, vector<16xi32>,
      tpu.vector_store %arg13[%swap3A_201], %select_n3A_194 {strides = array<i32>} : memref<8192xi32, #tpu.memory_space<vmem>>, vector<16xi32>,
      %slice3A_203 = vector.extract_strided_slice %get3A_102 {offsets = [3], sizes = [1], strides = [1]} : vector<16xi32> to vector<1xi32>
      %squeeze3A_204 = vector.extract %slice3A_203[0] : i32 from vector<1xi32>
      %shift_right_arithmetic3A_205 = arith.constant 5 : i32
      %shift_right_arithmetic3A_206 = arith.shrsi %squeeze3A_204, %shift_right_arithmetic3A_205 : i32
      %eq3A_207 = vector.broadcast %shift_right_arithmetic3A_206 : i32 to vector<16xi32>
      %eq3A_208 = arith.cmpi eq, %iota3A, %eq3A_207 : vector<16xi32>
      %and3A_209 = arith.constant 31 : i32
      %and3A_210 = arith.andi %squeeze3A_204, %and3A_209 : i32
      %shift_left3A_211 = arith.constant 1 : i32
      %shift_left3A_212 = arith.shli %shift_left3A_211, %and3A_210 : i32
      %jit3A_213 = arith.constant 0 : i32
      %broadcast_in_dim3A_214 = vector.broadcast %shift_left3A_212 : i32 to vector<16xi32>
      %broadcast_in_dim3A_215 = vector.broadcast %jit3A_213 : i32 to vector<16xi32>
      %select_n3A_216 = arith.select %eq3A_208, %broadcast_in_dim3A_214, %broadcast_in_dim3A_215 : vector<16xi1>, vector<16xi32>
      %or3A_217 = arith.ori %or3A_185, %select_n3A_216 : vector<16xi32>
      %slice3A_218 = vector.extract_strided_slice %get3A_106 {offsets = [3], sizes = [1], strides = [1]} : vector<16xi32> to vector<1xi32>
      %squeeze3A_219 = vector.extract %slice3A_218[0] : i32 from vector<1xi32>
      %broadcast_in_dim3A_220 = vector.broadcast %squeeze3A_219 : i32 to vector<16xi32>
      %eq3A_221 = arith.constant 1 : i32
      %eq3A_222 = vector.broadcast %eq3A_221 : i32 to vector<16xi32>
      %eq3A_223 = arith.cmpi eq, %broadcast_in_dim3A_220, %eq3A_222 : vector<16xi32>
      %broadcast_in_dim3A_224 = arith.constant 0 : i32
      %broadcast_in_dim3A_225 = vector.broadcast %broadcast_in_dim3A_224 : i32 to vector<16xi32>
      %select_n3A_226 = arith.select %eq3A_223, %or3A_217, %broadcast_in_dim3A_225 : vector<16xi1>, vector<16xi32>
      %mul3A_227 = arith.constant 16 : i32
      %mul3A_228 = arith.muli %scan3A_95, %mul3A_227 : i32
      %add3A_229 = arith.constant 3 : i32
      %add3A_230 = arith.addi %mul3A_228, %add3A_229 : i32
      %mul3A_231 = arith.constant 16 : i32
      %mul3A_232 = arith.muli %add3A_230, %mul3A_231 : i32
      %swap3A_233 = arith.index_cast %mul3A_232 : i32 to index
      %swap3A_234 = tpu.vector_load %arg13[%swap3A_233] {strides = array<i32>} : memref<8192xi32, #tpu.memory_space<vmem>>, vector<16xi32>,
      tpu.vector_store %arg13[%swap3A_233], %select_n3A_226 {strides = array<i32>} : memref<8192xi32, #tpu.memory_space<vmem>>, vector<16xi32>,
      %slice3A_235 = vector.extract_strided_slice %get3A_102 {offsets = [4], sizes = [1], strides = [1]} : vector<16xi32> to vector<1xi32>
      %squeeze3A_236 = vector.extract %slice3A_235[0] : i32 from vector<1xi32>
      %shift_right_arithmetic3A_237 = arith.constant 5 : i32
      %shift_right_arithmetic3A_238 = arith.shrsi %squeeze3A_236, %shift_right_arithmetic3A_237 : i32
      %eq3A_239 = vector.broadcast %shift_right_arithmetic3A_238 : i32 to vector<16xi32>
      %eq3A_240 = arith.cmpi eq, %iota3A, %eq3A_239 : vector<16xi32>
      %and3A_241 = arith.constant 31 : i32
      %and3A_242 = arith.andi %squeeze3A_236, %and3A_241 : i32
      %shift_left3A_243 = arith.constant 1 : i32
      %shift_left3A_244 = arith.shli %shift_left3A_243, %and3A_242 : i32
      %jit3A_245 = arith.constant 0 : i32
      %broadcast_in_dim3A_246 = vector.broadcast %shift_left3A_244 : i32 to vector<16xi32>
      %broadcast_in_dim3A_247 = vector.broadcast %jit3A_245 : i32 to vector<16xi32>
      %select_n3A_248 = arith.select %eq3A_240, %broadcast_in_dim3A_246, %broadcast_in_dim3A_247 : vector<16xi1>, vector<16xi32>
      %or3A_249 = arith.ori %or3A_217, %select_n3A_248 : vector<16xi32>
      %slice3A_250 = vector.extract_strided_slice %get3A_106 {offsets = [4], sizes = [1], strides = [1]} : vector<16xi32> to vector<1xi32>
      %squeeze3A_251 = vector.extract %slice3A_250[0] : i32 from vector<1xi32>
      %broadcast_in_dim3A_252 = vector.broadcast %squeeze3A_251 : i32 to vector<16xi32>
      %eq3A_253 = arith.constant 1 : i32
      %eq3A_254 = vector.broadcast %eq3A_253 : i32 to vector<16xi32>
      %eq3A_255 = arith.cmpi eq, %broadcast_in_dim3A_252, %eq3A_254 : vector<16xi32>
      %broadcast_in_dim3A_256 = arith.constant 0 : i32
      %broadcast_in_dim3A_257 = vector.broadcast %broadcast_in_dim3A_256 : i32 to vector<16xi32>
      %select_n3A_258 = arith.select %eq3A_255, %or3A_249, %broadcast_in_dim3A_257 : vector<16xi1>, vector<16xi32>
      %mul3A_259 = arith.constant 16 : i32
      %mul3A_260 = arith.muli %scan3A_95, %mul3A_259 : i32
      %add3A_261 = arith.constant 4 : i32
      %add3A_262 = arith.addi %mul3A_260, %add3A_261 : i32
      %mul3A_263 = arith.constant 16 : i32
      %mul3A_264 = arith.muli %add3A_262, %mul3A_263 : i32
      %swap3A_265 = arith.index_cast %mul3A_264 : i32 to index
      %swap3A_266 = tpu.vector_load %arg13[%swap3A_265] {strides = array<i32>} : memref<8192xi32, #tpu.memory_space<vmem>>, vector<16xi32>,
      tpu.vector_store %arg13[%swap3A_265], %select_n3A_258 {strides = array<i32>} : memref<8192xi32, #tpu.memory_space<vmem>>, vector<16xi32>,
      %slice3A_267 = vector.extract_strided_slice %get3A_102 {offsets = [5], sizes = [1], strides = [1]} : vector<16xi32> to vector<1xi32>
      %squeeze3A_268 = vector.extract %slice3A_267[0] : i32 from vector<1xi32>
      %shift_right_arithmetic3A_269 = arith.constant 5 : i32
      %shift_right_arithmetic3A_270 = arith.shrsi %squeeze3A_268, %shift_right_arithmetic3A_269 : i32
      %eq3A_271 = vector.broadcast %shift_right_arithmetic3A_270 : i32 to vector<16xi32>
      %eq3A_272 = arith.cmpi eq, %iota3A, %eq3A_271 : vector<16xi32>
      %and3A_273 = arith.constant 31 : i32
      %and3A_274 = arith.andi %squeeze3A_268, %and3A_273 : i32
      %shift_left3A_275 = arith.constant 1 : i32
      %shift_left3A_276 = arith.shli %shift_left3A_275, %and3A_274 : i32
      %jit3A_277 = arith.constant 0 : i32
      %broadcast_in_dim3A_278 = vector.broadcast %shift_left3A_276 : i32 to vector<16xi32>
      %broadcast_in_dim3A_279 = vector.broadcast %jit3A_277 : i32 to vector<16xi32>
      %select_n3A_280 = arith.select %eq3A_272, %broadcast_in_dim3A_278, %broadcast_in_dim3A_279 : vector<16xi1>, vector<16xi32>
      %or3A_281 = arith.ori %or3A_249, %select_n3A_280 : vector<16xi32>
      %slice3A_282 = vector.extract_strided_slice %get3A_106 {offsets = [5], sizes = [1], strides = [1]} : vector<16xi32> to vector<1xi32>
      %squeeze3A_283 = vector.extract %slice3A_282[0] : i32 from vector<1xi32>
      %broadcast_in_dim3A_284 = vector.broadcast %squeeze3A_283 : i32 to vector<16xi32>
      %eq3A_285 = arith.constant 1 : i32
      %eq3A_286 = vector.broadcast %eq3A_285 : i32 to vector<16xi32>
      %eq3A_287 = arith.cmpi eq, %broadcast_in_dim3A_284, %eq3A_286 : vector<16xi32>
      %broadcast_in_dim3A_288 = arith.constant 0 : i32
      %broadcast_in_dim3A_289 = vector.broadcast %broadcast_in_dim3A_288 : i32 to vector<16xi32>
      %select_n3A_290 = arith.select %eq3A_287, %or3A_281, %broadcast_in_dim3A_289 : vector<16xi1>, vector<16xi32>
      %mul3A_291 = arith.constant 16 : i32
      %mul3A_292 = arith.muli %scan3A_95, %mul3A_291 : i32
      %add3A_293 = arith.constant 5 : i32
      %add3A_294 = arith.addi %mul3A_292, %add3A_293 : i32
      %mul3A_295 = arith.constant 16 : i32
      %mul3A_296 = arith.muli %add3A_294, %mul3A_295 : i32
      %swap3A_297 = arith.index_cast %mul3A_296 : i32 to index
      %swap3A_298 = tpu.vector_load %arg13[%swap3A_297] {strides = array<i32>} : memref<8192xi32, #tpu.memory_space<vmem>>, vector<16xi32>,
      tpu.vector_store %arg13[%swap3A_297], %select_n3A_290 {strides = array<i32>} : memref<8192xi32, #tpu.memory_space<vmem>>, vector<16xi32>,
      %slice3A_299 = vector.extract_strided_slice %get3A_102 {offsets = [6], sizes = [1], strides = [1]} : vector<16xi32> to vector<1xi32>
      %squeeze3A_300 = vector.extract %slice3A_299[0] : i32 from vector<1xi32>
      %shift_right_arithmetic3A_301 = arith.constant 5 : i32
      %shift_right_arithmetic3A_302 = arith.shrsi %squeeze3A_300, %shift_right_arithmetic3A_301 : i32
      %eq3A_303 = vector.broadcast %shift_right_arithmetic3A_302 : i32 to vector<16xi32>
      %eq3A_304 = arith.cmpi eq, %iota3A, %eq3A_303 : vector<16xi32>
      %and3A_305 = arith.constant 31 : i32
      %and3A_306 = arith.andi %squeeze3A_300, %and3A_305 : i32
      %shift_left3A_307 = arith.constant 1 : i32
      %shift_left3A_308 = arith.shli %shift_left3A_307, %and3A_306 : i32
      %jit3A_309 = arith.constant 0 : i32
      %broadcast_in_dim3A_310 = vector.broadcast %shift_left3A_308 : i32 to vector<16xi32>
      %broadcast_in_dim3A_311 = vector.broadcast %jit3A_309 : i32 to vector<16xi32>
      %select_n3A_312 = arith.select %eq3A_304, %broadcast_in_dim3A_310, %broadcast_in_dim3A_311 : vector<16xi1>, vector<16xi32>
      %or3A_313 = arith.ori %or3A_281, %select_n3A_312 : vector<16xi32>
      %slice3A_314 = vector.extract_strided_slice %get3A_106 {offsets = [6], sizes = [1], strides = [1]} : vector<16xi32> to vector<1xi32>
      %squeeze3A_315 = vector.extract %slice3A_314[0] : i32 from vector<1xi32>
      %broadcast_in_dim3A_316 = vector.broadcast %squeeze3A_315 : i32 to vector<16xi32>
      %eq3A_317 = arith.constant 1 : i32
      %eq3A_318 = vector.broadcast %eq3A_317 : i32 to vector<16xi32>
      %eq3A_319 = arith.cmpi eq, %broadcast_in_dim3A_316, %eq3A_318 : vector<16xi32>
      %broadcast_in_dim3A_320 = arith.constant 0 : i32
      %broadcast_in_dim3A_321 = vector.broadcast %broadcast_in_dim3A_320 : i32 to vector<16xi32>
      %select_n3A_322 = arith.select %eq3A_319, %or3A_313, %broadcast_in_dim3A_321 : vector<16xi1>, vector<16xi32>
      %mul3A_323 = arith.constant 16 : i32
      %mul3A_324 = arith.muli %scan3A_95, %mul3A_323 : i32
      %add3A_325 = arith.constant 6 : i32
      %add3A_326 = arith.addi %mul3A_324, %add3A_325 : i32
      %mul3A_327 = arith.constant 16 : i32
      %mul3A_328 = arith.muli %add3A_326, %mul3A_327 : i32
      %swap3A_329 = arith.index_cast %mul3A_328 : i32 to index
      %swap3A_330 = tpu.vector_load %arg13[%swap3A_329] {strides = array<i32>} : memref<8192xi32, #tpu.memory_space<vmem>>, vector<16xi32>,
      tpu.vector_store %arg13[%swap3A_329], %select_n3A_322 {strides = array<i32>} : memref<8192xi32, #tpu.memory_space<vmem>>, vector<16xi32>,
      %slice3A_331 = vector.extract_strided_slice %get3A_102 {offsets = [7], sizes = [1], strides = [1]} : vector<16xi32> to vector<1xi32>
      %squeeze3A_332 = vector.extract %slice3A_331[0] : i32 from vector<1xi32>
      %shift_right_arithmetic3A_333 = arith.constant 5 : i32
      %shift_right_arithmetic3A_334 = arith.shrsi %squeeze3A_332, %shift_right_arithmetic3A_333 : i32
      %eq3A_335 = vector.broadcast %shift_right_arithmetic3A_334 : i32 to vector<16xi32>
      %eq3A_336 = arith.cmpi eq, %iota3A, %eq3A_335 : vector<16xi32>
      %and3A_337 = arith.constant 31 : i32
      %and3A_338 = arith.andi %squeeze3A_332, %and3A_337 : i32
      %shift_left3A_339 = arith.constant 1 : i32
      %shift_left3A_340 = arith.shli %shift_left3A_339, %and3A_338 : i32
      %jit3A_341 = arith.constant 0 : i32
      %broadcast_in_dim3A_342 = vector.broadcast %shift_left3A_340 : i32 to vector<16xi32>
      %broadcast_in_dim3A_343 = vector.broadcast %jit3A_341 : i32 to vector<16xi32>
      %select_n3A_344 = arith.select %eq3A_336, %broadcast_in_dim3A_342, %broadcast_in_dim3A_343 : vector<16xi1>, vector<16xi32>
      %or3A_345 = arith.ori %or3A_313, %select_n3A_344 : vector<16xi32>
      %slice3A_346 = vector.extract_strided_slice %get3A_106 {offsets = [7], sizes = [1], strides = [1]} : vector<16xi32> to vector<1xi32>
      %squeeze3A_347 = vector.extract %slice3A_346[0] : i32 from vector<1xi32>
      %broadcast_in_dim3A_348 = vector.broadcast %squeeze3A_347 : i32 to vector<16xi32>
      %eq3A_349 = arith.constant 1 : i32
      %eq3A_350 = vector.broadcast %eq3A_349 : i32 to vector<16xi32>
      %eq3A_351 = arith.cmpi eq, %broadcast_in_dim3A_348, %eq3A_350 : vector<16xi32>
      %broadcast_in_dim3A_352 = arith.constant 0 : i32
      %broadcast_in_dim3A_353 = vector.broadcast %broadcast_in_dim3A_352 : i32 to vector<16xi32>
      %select_n3A_354 = arith.select %eq3A_351, %or3A_345, %broadcast_in_dim3A_353 : vector<16xi1>, vector<16xi32>
      %mul3A_355 = arith.constant 16 : i32
      %mul3A_356 = arith.muli %scan3A_95, %mul3A_355 : i32
      %add3A_357 = arith.constant 7 : i32
      %add3A_358 = arith.addi %mul3A_356, %add3A_357 : i32
      %mul3A_359 = arith.constant 16 : i32
      %mul3A_360 = arith.muli %add3A_358, %mul3A_359 : i32
      %swap3A_361 = arith.index_cast %mul3A_360 : i32 to index
      %swap3A_362 = tpu.vector_load %arg13[%swap3A_361] {strides = array<i32>} : memref<8192xi32, #tpu.memory_space<vmem>>, vector<16xi32>,
      tpu.vector_store %arg13[%swap3A_361], %select_n3A_354 {strides = array<i32>} : memref<8192xi32, #tpu.memory_space<vmem>>, vector<16xi32>,
      %slice3A_363 = vector.extract_strided_slice %get3A_102 {offsets = [8], sizes = [1], strides = [1]} : vector<16xi32> to vector<1xi32>
      %squeeze3A_364 = vector.extract %slice3A_363[0] : i32 from vector<1xi32>
      %shift_right_arithmetic3A_365 = arith.constant 5 : i32
      %shift_right_arithmetic3A_366 = arith.shrsi %squeeze3A_364, %shift_right_arithmetic3A_365 : i32
      %eq3A_367 = vector.broadcast %shift_right_arithmetic3A_366 : i32 to vector<16xi32>
      %eq3A_368 = arith.cmpi eq, %iota3A, %eq3A_367 : vector<16xi32>
      %and3A_369 = arith.constant 31 : i32
      %and3A_370 = arith.andi %squeeze3A_364, %and3A_369 : i32
      %shift_left3A_371 = arith.constant 1 : i32
      %shift_left3A_372 = arith.shli %shift_left3A_371, %and3A_370 : i32
      %jit3A_373 = arith.constant 0 : i32
      %broadcast_in_dim3A_374 = vector.broadcast %shift_left3A_372 : i32 to vector<16xi32>
      %broadcast_in_dim3A_375 = vector.broadcast %jit3A_373 : i32 to vector<16xi32>
      %select_n3A_376 = arith.select %eq3A_368, %broadcast_in_dim3A_374, %broadcast_in_dim3A_375 : vector<16xi1>, vector<16xi32>
      %or3A_377 = arith.ori %or3A_345, %select_n3A_376 : vector<16xi32>
      %slice3A_378 = vector.extract_strided_slice %get3A_106 {offsets = [8], sizes = [1], strides = [1]} : vector<16xi32> to vector<1xi32>
      %squeeze3A_379 = vector.extract %slice3A_378[0] : i32 from vector<1xi32>
      %broadcast_in_dim3A_380 = vector.broadcast %squeeze3A_379 : i32 to vector<16xi32>
      %eq3A_381 = arith.constant 1 : i32
      %eq3A_382 = vector.broadcast %eq3A_381 : i32 to vector<16xi32>
      %eq3A_383 = arith.cmpi eq, %broadcast_in_dim3A_380, %eq3A_382 : vector<16xi32>
      %broadcast_in_dim3A_384 = arith.constant 0 : i32
      %broadcast_in_dim3A_385 = vector.broadcast %broadcast_in_dim3A_384 : i32 to vector<16xi32>
      %select_n3A_386 = arith.select %eq3A_383, %or3A_377, %broadcast_in_dim3A_385 : vector<16xi1>, vector<16xi32>
      %mul3A_387 = arith.constant 16 : i32
      %mul3A_388 = arith.muli %scan3A_95, %mul3A_387 : i32
      %add3A_389 = arith.constant 8 : i32
      %add3A_390 = arith.addi %mul3A_388, %add3A_389 : i32
      %mul3A_391 = arith.constant 16 : i32
      %mul3A_392 = arith.muli %add3A_390, %mul3A_391 : i32
      %swap3A_393 = arith.index_cast %mul3A_392 : i32 to index
      %swap3A_394 = tpu.vector_load %arg13[%swap3A_393] {strides = array<i32>} : memref<8192xi32, #tpu.memory_space<vmem>>, vector<16xi32>,
      tpu.vector_store %arg13[%swap3A_393], %select_n3A_386 {strides = array<i32>} : memref<8192xi32, #tpu.memory_space<vmem>>, vector<16xi32>,
      %slice3A_395 = vector.extract_strided_slice %get3A_102 {offsets = [9], sizes = [1], strides = [1]} : vector<16xi32> to vector<1xi32>
      %squeeze3A_396 = vector.extract %slice3A_395[0] : i32 from vector<1xi32>
      %shift_right_arithmetic3A_397 = arith.constant 5 : i32
      %shift_right_arithmetic3A_398 = arith.shrsi %squeeze3A_396, %shift_right_arithmetic3A_397 : i32
      %eq3A_399 = vector.broadcast %shift_right_arithmetic3A_398 : i32 to vector<16xi32>
      %eq3A_400 = arith.cmpi eq, %iota3A, %eq3A_399 : vector<16xi32>
      %and3A_401 = arith.constant 31 : i32
      %and3A_402 = arith.andi %squeeze3A_396, %and3A_401 : i32
      %shift_left3A_403 = arith.constant 1 : i32
      %shift_left3A_404 = arith.shli %shift_left3A_403, %and3A_402 : i32
      %jit3A_405 = arith.constant 0 : i32
      %broadcast_in_dim3A_406 = vector.broadcast %shift_left3A_404 : i32 to vector<16xi32>
      %broadcast_in_dim3A_407 = vector.broadcast %jit3A_405 : i32 to vector<16xi32>
      %select_n3A_408 = arith.select %eq3A_400, %broadcast_in_dim3A_406, %broadcast_in_dim3A_407 : vector<16xi1>, vector<16xi32>
      %or3A_409 = arith.ori %or3A_377, %select_n3A_408 : vector<16xi32>
      %slice3A_410 = vector.extract_strided_slice %get3A_106 {offsets = [9], sizes = [1], strides = [1]} : vector<16xi32> to vector<1xi32>
      %squeeze3A_411 = vector.extract %slice3A_410[0] : i32 from vector<1xi32>
      %broadcast_in_dim3A_412 = vector.broadcast %squeeze3A_411 : i32 to vector<16xi32>
      %eq3A_413 = arith.constant 1 : i32
      %eq3A_414 = vector.broadcast %eq3A_413 : i32 to vector<16xi32>
      %eq3A_415 = arith.cmpi eq, %broadcast_in_dim3A_412, %eq3A_414 : vector<16xi32>
      %broadcast_in_dim3A_416 = arith.constant 0 : i32
      %broadcast_in_dim3A_417 = vector.broadcast %broadcast_in_dim3A_416 : i32 to vector<16xi32>
      %select_n3A_418 = arith.select %eq3A_415, %or3A_409, %broadcast_in_dim3A_417 : vector<16xi1>, vector<16xi32>
      %mul3A_419 = arith.constant 16 : i32
      %mul3A_420 = arith.muli %scan3A_95, %mul3A_419 : i32
      %add3A_421 = arith.constant 9 : i32
      %add3A_422 = arith.addi %mul3A_420, %add3A_421 : i32
      %mul3A_423 = arith.constant 16 : i32
      %mul3A_424 = arith.muli %add3A_422, %mul3A_423 : i32
      %swap3A_425 = arith.index_cast %mul3A_424 : i32 to index
      %swap3A_426 = tpu.vector_load %arg13[%swap3A_425] {strides = array<i32>} : memref<8192xi32, #tpu.memory_space<vmem>>, vector<16xi32>,
      tpu.vector_store %arg13[%swap3A_425], %select_n3A_418 {strides = array<i32>} : memref<8192xi32, #tpu.memory_space<vmem>>, vector<16xi32>,
      %slice3A_427 = vector.extract_strided_slice %get3A_102 {offsets = [10], sizes = [1], strides = [1]} : vector<16xi32> to vector<1xi32>
      %squeeze3A_428 = vector.extract %slice3A_427[0] : i32 from vector<1xi32>
      %shift_right_arithmetic3A_429 = arith.constant 5 : i32
      %shift_right_arithmetic3A_430 = arith.shrsi %squeeze3A_428, %shift_right_arithmetic3A_429 : i32
      %eq3A_431 = vector.broadcast %shift_right_arithmetic3A_430 : i32 to vector<16xi32>
      %eq3A_432 = arith.cmpi eq, %iota3A, %eq3A_431 : vector<16xi32>
      %and3A_433 = arith.constant 31 : i32
      %and3A_434 = arith.andi %squeeze3A_428, %and3A_433 : i32
      %shift_left3A_435 = arith.constant 1 : i32
      %shift_left3A_436 = arith.shli %shift_left3A_435, %and3A_434 : i32
      %jit3A_437 = arith.constant 0 : i32
      %broadcast_in_dim3A_438 = vector.broadcast %shift_left3A_436 : i32 to vector<16xi32>
      %broadcast_in_dim3A_439 = vector.broadcast %jit3A_437 : i32 to vector<16xi32>
      %select_n3A_440 = arith.select %eq3A_432, %broadcast_in_dim3A_438, %broadcast_in_dim3A_439 : vector<16xi1>, vector<16xi32>
      %or3A_441 = arith.ori %or3A_409, %select_n3A_440 : vector<16xi32>
      %slice3A_442 = vector.extract_strided_slice %get3A_106 {offsets = [10], sizes = [1], strides = [1]} : vector<16xi32> to vector<1xi32>
      %squeeze3A_443 = vector.extract %slice3A_442[0] : i32 from vector<1xi32>
      %broadcast_in_dim3A_444 = vector.broadcast %squeeze3A_443 : i32 to vector<16xi32>
      %eq3A_445 = arith.constant 1 : i32
      %eq3A_446 = vector.broadcast %eq3A_445 : i32 to vector<16xi32>
      %eq3A_447 = arith.cmpi eq, %broadcast_in_dim3A_444, %eq3A_446 : vector<16xi32>
      %broadcast_in_dim3A_448 = arith.constant 0 : i32
      %broadcast_in_dim3A_449 = vector.broadcast %broadcast_in_dim3A_448 : i32 to vector<16xi32>
      %select_n3A_450 = arith.select %eq3A_447, %or3A_441, %broadcast_in_dim3A_449 : vector<16xi1>, vector<16xi32>
      %mul3A_451 = arith.constant 16 : i32
      %mul3A_452 = arith.muli %scan3A_95, %mul3A_451 : i32
      %add3A_453 = arith.constant 10 : i32
      %add3A_454 = arith.addi %mul3A_452, %add3A_453 : i32
      %mul3A_455 = arith.constant 16 : i32
      %mul3A_456 = arith.muli %add3A_454, %mul3A_455 : i32
      %swap3A_457 = arith.index_cast %mul3A_456 : i32 to index
      %swap3A_458 = tpu.vector_load %arg13[%swap3A_457] {strides = array<i32>} : memref<8192xi32, #tpu.memory_space<vmem>>, vector<16xi32>,
      tpu.vector_store %arg13[%swap3A_457], %select_n3A_450 {strides = array<i32>} : memref<8192xi32, #tpu.memory_space<vmem>>, vector<16xi32>,
      %slice3A_459 = vector.extract_strided_slice %get3A_102 {offsets = [11], sizes = [1], strides = [1]} : vector<16xi32> to vector<1xi32>
      %squeeze3A_460 = vector.extract %slice3A_459[0] : i32 from vector<1xi32>
      %shift_right_arithmetic3A_461 = arith.constant 5 : i32
      %shift_right_arithmetic3A_462 = arith.shrsi %squeeze3A_460, %shift_right_arithmetic3A_461 : i32
      %eq3A_463 = vector.broadcast %shift_right_arithmetic3A_462 : i32 to vector<16xi32>
      %eq3A_464 = arith.cmpi eq, %iota3A, %eq3A_463 : vector<16xi32>
      %and3A_465 = arith.constant 31 : i32
      %and3A_466 = arith.andi %squeeze3A_460, %and3A_465 : i32
      %shift_left3A_467 = arith.constant 1 : i32
      %shift_left3A_468 = arith.shli %shift_left3A_467, %and3A_466 : i32
      %jit3A_469 = arith.constant 0 : i32
      %broadcast_in_dim3A_470 = vector.broadcast %shift_left3A_468 : i32 to vector<16xi32>
      %broadcast_in_dim3A_471 = vector.broadcast %jit3A_469 : i32 to vector<16xi32>
      %select_n3A_472 = arith.select %eq3A_464, %broadcast_in_dim3A_470, %broadcast_in_dim3A_471 : vector<16xi1>, vector<16xi32>
      %or3A_473 = arith.ori %or3A_441, %select_n3A_472 : vector<16xi32>
      %slice3A_474 = vector.extract_strided_slice %get3A_106 {offsets = [11], sizes = [1], strides = [1]} : vector<16xi32> to vector<1xi32>
      %squeeze3A_475 = vector.extract %slice3A_474[0] : i32 from vector<1xi32>
      %broadcast_in_dim3A_476 = vector.broadcast %squeeze3A_475 : i32 to vector<16xi32>
      %eq3A_477 = arith.constant 1 : i32
      %eq3A_478 = vector.broadcast %eq3A_477 : i32 to vector<16xi32>
      %eq3A_479 = arith.cmpi eq, %broadcast_in_dim3A_476, %eq3A_478 : vector<16xi32>
      %broadcast_in_dim3A_480 = arith.constant 0 : i32
      %broadcast_in_dim3A_481 = vector.broadcast %broadcast_in_dim3A_480 : i32 to vector<16xi32>
      %select_n3A_482 = arith.select %eq3A_479, %or3A_473, %broadcast_in_dim3A_481 : vector<16xi1>, vector<16xi32>
      %mul3A_483 = arith.constant 16 : i32
      %mul3A_484 = arith.muli %scan3A_95, %mul3A_483 : i32
      %add3A_485 = arith.constant 11 : i32
      %add3A_486 = arith.addi %mul3A_484, %add3A_485 : i32
      %mul3A_487 = arith.constant 16 : i32
      %mul3A_488 = arith.muli %add3A_486, %mul3A_487 : i32
      %swap3A_489 = arith.index_cast %mul3A_488 : i32 to index
      %swap3A_490 = tpu.vector_load %arg13[%swap3A_489] {strides = array<i32>} : memref<8192xi32, #tpu.memory_space<vmem>>, vector<16xi32>,
      tpu.vector_store %arg13[%swap3A_489], %select_n3A_482 {strides = array<i32>} : memref<8192xi32, #tpu.memory_space<vmem>>, vector<16xi32>,
      %slice3A_491 = vector.extract_strided_slice %get3A_102 {offsets = [12], sizes = [1], strides = [1]} : vector<16xi32> to vector<1xi32>
      %squeeze3A_492 = vector.extract %slice3A_491[0] : i32 from vector<1xi32>
      %shift_right_arithmetic3A_493 = arith.constant 5 : i32
      %shift_right_arithmetic3A_494 = arith.shrsi %squeeze3A_492, %shift_right_arithmetic3A_493 : i32
      %eq3A_495 = vector.broadcast %shift_right_arithmetic3A_494 : i32 to vector<16xi32>
      %eq3A_496 = arith.cmpi eq, %iota3A, %eq3A_495 : vector<16xi32>
      %and3A_497 = arith.constant 31 : i32
      %and3A_498 = arith.andi %squeeze3A_492, %and3A_497 : i32
      %shift_left3A_499 = arith.constant 1 : i32
      %shift_left3A_500 = arith.shli %shift_left3A_499, %and3A_498 : i32
      %jit3A_501 = arith.constant 0 : i32
      %broadcast_in_dim3A_502 = vector.broadcast %shift_left3A_500 : i32 to vector<16xi32>
      %broadcast_in_dim3A_503 = vector.broadcast %jit3A_501 : i32 to vector<16xi32>
      %select_n3A_504 = arith.select %eq3A_496, %broadcast_in_dim3A_502, %broadcast_in_dim3A_503 : vector<16xi1>, vector<16xi32>
      %or3A_505 = arith.ori %or3A_473, %select_n3A_504 : vector<16xi32>
      %slice3A_506 = vector.extract_strided_slice %get3A_106 {offsets = [12], sizes = [1], strides = [1]} : vector<16xi32> to vector<1xi32>
      %squeeze3A_507 = vector.extract %slice3A_506[0] : i32 from vector<1xi32>
      %broadcast_in_dim3A_508 = vector.broadcast %squeeze3A_507 : i32 to vector<16xi32>
      %eq3A_509 = arith.constant 1 : i32
      %eq3A_510 = vector.broadcast %eq3A_509 : i32 to vector<16xi32>
      %eq3A_511 = arith.cmpi eq, %broadcast_in_dim3A_508, %eq3A_510 : vector<16xi32>
      %broadcast_in_dim3A_512 = arith.constant 0 : i32
      %broadcast_in_dim3A_513 = vector.broadcast %broadcast_in_dim3A_512 : i32 to vector<16xi32>
      %select_n3A_514 = arith.select %eq3A_511, %or3A_505, %broadcast_in_dim3A_513 : vector<16xi1>, vector<16xi32>
      %mul3A_515 = arith.constant 16 : i32
      %mul3A_516 = arith.muli %scan3A_95, %mul3A_515 : i32
      %add3A_517 = arith.constant 12 : i32
      %add3A_518 = arith.addi %mul3A_516, %add3A_517 : i32
      %mul3A_519 = arith.constant 16 : i32
      %mul3A_520 = arith.muli %add3A_518, %mul3A_519 : i32
      %swap3A_521 = arith.index_cast %mul3A_520 : i32 to index
      %swap3A_522 = tpu.vector_load %arg13[%swap3A_521] {strides = array<i32>} : memref<8192xi32, #tpu.memory_space<vmem>>, vector<16xi32>,
      tpu.vector_store %arg13[%swap3A_521], %select_n3A_514 {strides = array<i32>} : memref<8192xi32, #tpu.memory_space<vmem>>, vector<16xi32>,
      %slice3A_523 = vector.extract_strided_slice %get3A_102 {offsets = [13], sizes = [1], strides = [1]} : vector<16xi32> to vector<1xi32>
      %squeeze3A_524 = vector.extract %slice3A_523[0] : i32 from vector<1xi32>
      %shift_right_arithmetic3A_525 = arith.constant 5 : i32
      %shift_right_arithmetic3A_526 = arith.shrsi %squeeze3A_524, %shift_right_arithmetic3A_525 : i32
      %eq3A_527 = vector.broadcast %shift_right_arithmetic3A_526 : i32 to vector<16xi32>
      %eq3A_528 = arith.cmpi eq, %iota3A, %eq3A_527 : vector<16xi32>
      %and3A_529 = arith.constant 31 : i32
      %and3A_530 = arith.andi %squeeze3A_524, %and3A_529 : i32
      %shift_left3A_531 = arith.constant 1 : i32
      %shift_left3A_532 = arith.shli %shift_left3A_531, %and3A_530 : i32
      %jit3A_533 = arith.constant 0 : i32
      %broadcast_in_dim3A_534 = vector.broadcast %shift_left3A_532 : i32 to vector<16xi32>
      %broadcast_in_dim3A_535 = vector.broadcast %jit3A_533 : i32 to vector<16xi32>
      %select_n3A_536 = arith.select %eq3A_528, %broadcast_in_dim3A_534, %broadcast_in_dim3A_535 : vector<16xi1>, vector<16xi32>
      %or3A_537 = arith.ori %or3A_505, %select_n3A_536 : vector<16xi32>
      %slice3A_538 = vector.extract_strided_slice %get3A_106 {offsets = [13], sizes = [1], strides = [1]} : vector<16xi32> to vector<1xi32>
      %squeeze3A_539 = vector.extract %slice3A_538[0] : i32 from vector<1xi32>
      %broadcast_in_dim3A_540 = vector.broadcast %squeeze3A_539 : i32 to vector<16xi32>
      %eq3A_541 = arith.constant 1 : i32
      %eq3A_542 = vector.broadcast %eq3A_541 : i32 to vector<16xi32>
      %eq3A_543 = arith.cmpi eq, %broadcast_in_dim3A_540, %eq3A_542 : vector<16xi32>
      %broadcast_in_dim3A_544 = arith.constant 0 : i32
      %broadcast_in_dim3A_545 = vector.broadcast %broadcast_in_dim3A_544 : i32 to vector<16xi32>
      %select_n3A_546 = arith.select %eq3A_543, %or3A_537, %broadcast_in_dim3A_545 : vector<16xi1>, vector<16xi32>
      %mul3A_547 = arith.constant 16 : i32
      %mul3A_548 = arith.muli %scan3A_95, %mul3A_547 : i32
      %add3A_549 = arith.constant 13 : i32
      %add3A_550 = arith.addi %mul3A_548, %add3A_549 : i32
      %mul3A_551 = arith.constant 16 : i32
      %mul3A_552 = arith.muli %add3A_550, %mul3A_551 : i32
      %swap3A_553 = arith.index_cast %mul3A_552 : i32 to index
      %swap3A_554 = tpu.vector_load %arg13[%swap3A_553] {strides = array<i32>} : memref<8192xi32, #tpu.memory_space<vmem>>, vector<16xi32>,
      tpu.vector_store %arg13[%swap3A_553], %select_n3A_546 {strides = array<i32>} : memref<8192xi32, #tpu.memory_space<vmem>>, vector<16xi32>,
      %slice3A_555 = vector.extract_strided_slice %get3A_102 {offsets = [14], sizes = [1], strides = [1]} : vector<16xi32> to vector<1xi32>
      %squeeze3A_556 = vector.extract %slice3A_555[0] : i32 from vector<1xi32>
      %shift_right_arithmetic3A_557 = arith.constant 5 : i32
      %shift_right_arithmetic3A_558 = arith.shrsi %squeeze3A_556, %shift_right_arithmetic3A_557 : i32
      %eq3A_559 = vector.broadcast %shift_right_arithmetic3A_558 : i32 to vector<16xi32>
      %eq3A_560 = arith.cmpi eq, %iota3A, %eq3A_559 : vector<16xi32>
      %and3A_561 = arith.constant 31 : i32
      %and3A_562 = arith.andi %squeeze3A_556, %and3A_561 : i32
      %shift_left3A_563 = arith.constant 1 : i32
      %shift_left3A_564 = arith.shli %shift_left3A_563, %and3A_562 : i32
      %jit3A_565 = arith.constant 0 : i32
      %broadcast_in_dim3A_566 = vector.broadcast %shift_left3A_564 : i32 to vector<16xi32>
      %broadcast_in_dim3A_567 = vector.broadcast %jit3A_565 : i32 to vector<16xi32>
      %select_n3A_568 = arith.select %eq3A_560, %broadcast_in_dim3A_566, %broadcast_in_dim3A_567 : vector<16xi1>, vector<16xi32>
      %or3A_569 = arith.ori %or3A_537, %select_n3A_568 : vector<16xi32>
      %slice3A_570 = vector.extract_strided_slice %get3A_106 {offsets = [14], sizes = [1], strides = [1]} : vector<16xi32> to vector<1xi32>
      %squeeze3A_571 = vector.extract %slice3A_570[0] : i32 from vector<1xi32>
      %broadcast_in_dim3A_572 = vector.broadcast %squeeze3A_571 : i32 to vector<16xi32>
      %eq3A_573 = arith.constant 1 : i32
      %eq3A_574 = vector.broadcast %eq3A_573 : i32 to vector<16xi32>
      %eq3A_575 = arith.cmpi eq, %broadcast_in_dim3A_572, %eq3A_574 : vector<16xi32>
      %broadcast_in_dim3A_576 = arith.constant 0 : i32
      %broadcast_in_dim3A_577 = vector.broadcast %broadcast_in_dim3A_576 : i32 to vector<16xi32>
      %select_n3A_578 = arith.select %eq3A_575, %or3A_569, %broadcast_in_dim3A_577 : vector<16xi1>, vector<16xi32>
      %mul3A_579 = arith.constant 16 : i32
      %mul3A_580 = arith.muli %scan3A_95, %mul3A_579 : i32
      %add3A_581 = arith.constant 14 : i32
      %add3A_582 = arith.addi %mul3A_580, %add3A_581 : i32
      %mul3A_583 = arith.constant 16 : i32
      %mul3A_584 = arith.muli %add3A_582, %mul3A_583 : i32
      %swap3A_585 = arith.index_cast %mul3A_584 : i32 to index
      %swap3A_586 = tpu.vector_load %arg13[%swap3A_585] {strides = array<i32>} : memref<8192xi32, #tpu.memory_space<vmem>>, vector<16xi32>,
      tpu.vector_store %arg13[%swap3A_585], %select_n3A_578 {strides = array<i32>} : memref<8192xi32, #tpu.memory_space<vmem>>, vector<16xi32>,
      %slice3A_587 = vector.extract_strided_slice %get3A_102 {offsets = [15], sizes = [1], strides = [1]} : vector<16xi32> to vector<1xi32>
      %squeeze3A_588 = vector.extract %slice3A_587[0] : i32 from vector<1xi32>
      %shift_right_arithmetic3A_589 = arith.constant 5 : i32
      %shift_right_arithmetic3A_590 = arith.shrsi %squeeze3A_588, %shift_right_arithmetic3A_589 : i32
      %eq3A_591 = vector.broadcast %shift_right_arithmetic3A_590 : i32 to vector<16xi32>
      %eq3A_592 = arith.cmpi eq, %iota3A, %eq3A_591 : vector<16xi32>
      %and3A_593 = arith.constant 31 : i32
      %and3A_594 = arith.andi %squeeze3A_588, %and3A_593 : i32
      %shift_left3A_595 = arith.constant 1 : i32
      %shift_left3A_596 = arith.shli %shift_left3A_595, %and3A_594 : i32
      %jit3A_597 = arith.constant 0 : i32
      %broadcast_in_dim3A_598 = vector.broadcast %shift_left3A_596 : i32 to vector<16xi32>
      %broadcast_in_dim3A_599 = vector.broadcast %jit3A_597 : i32 to vector<16xi32>
      %select_n3A_600 = arith.select %eq3A_592, %broadcast_in_dim3A_598, %broadcast_in_dim3A_599 : vector<16xi1>, vector<16xi32>
      %or3A_601 = arith.ori %or3A_569, %select_n3A_600 : vector<16xi32>
      %slice3A_602 = vector.extract_strided_slice %get3A_106 {offsets = [15], sizes = [1], strides = [1]} : vector<16xi32> to vector<1xi32>
      %squeeze3A_603 = vector.extract %slice3A_602[0] : i32 from vector<1xi32>
      %broadcast_in_dim3A_604 = vector.broadcast %squeeze3A_603 : i32 to vector<16xi32>
      %eq3A_605 = arith.constant 1 : i32
      %eq3A_606 = vector.broadcast %eq3A_605 : i32 to vector<16xi32>
      %eq3A_607 = arith.cmpi eq, %broadcast_in_dim3A_604, %eq3A_606 : vector<16xi32>
      %broadcast_in_dim3A_608 = arith.constant 0 : i32
      %broadcast_in_dim3A_609 = vector.broadcast %broadcast_in_dim3A_608 : i32 to vector<16xi32>
      %select_n3A_610 = arith.select %eq3A_607, %or3A_601, %broadcast_in_dim3A_609 : vector<16xi1>, vector<16xi32>
      %mul3A_611 = arith.constant 16 : i32
      %mul3A_612 = arith.muli %scan3A_95, %mul3A_611 : i32
      %add3A_613 = arith.constant 15 : i32
      %add3A_614 = arith.addi %mul3A_612, %add3A_613 : i32
      %mul3A_615 = arith.constant 16 : i32
      %mul3A_616 = arith.muli %add3A_614, %mul3A_615 : i32
      %swap3A_617 = arith.index_cast %mul3A_616 : i32 to index
      %swap3A_618 = tpu.vector_load %arg13[%swap3A_617] {strides = array<i32>} : memref<8192xi32, #tpu.memory_space<vmem>>, vector<16xi32>,
      tpu.vector_store %arg13[%swap3A_617], %select_n3A_610 {strides = array<i32>} : memref<8192xi32, #tpu.memory_space<vmem>>, vector<16xi32>,
      scf.yield %or3A_601 : vector<16xi32>
    }
    %scan3A_92 = arith.constant 32 : i32
    %mul3A_93 = arith.constant 16 : i32
    %mul3A_94 = arith.muli %mul3A_32, %mul3A_93 : i32
    "tpu.region"() ({
      %run_scoped3A = tpu.sem_alloc : memref<!tpu.dma_semaphore, #tpu.memory_space<semaphore_mem>>
      %dma_start3A = tpu.memref_slice %arg4[%select_n3A, %mul3A_94] : memref<8x32768xi32, #tpu.memory_space<hbm>> -> memref<1x8192xi32, #tpu.memory_space<hbm>>
      %dma_start3A_95 = tpu.memref_squeeze %dma_start3A : memref<1x8192xi32, #tpu.memory_space<hbm>> -> memref<8192xi32, #tpu.memory_space<hbm>>
      %dma_start3A_96 = tpu.memref_slice %arg4[%select_n3A, %mul3A_94] : memref<8x32768xi32, #tpu.memory_space<hbm>> -> memref<1x8192xi32, #tpu.memory_space<hbm>>
      %dma_start3A_97 = tpu.memref_squeeze %dma_start3A_96 : memref<1x8192xi32, #tpu.memory_space<hbm>> -> memref<8192xi32, #tpu.memory_space<hbm>>
      tpu.enqueue_dma source(%arg13 : memref<8192xi32, #tpu.memory_space<vmem>>) target(%dma_start3A_97 : memref<8192xi32, #tpu.memory_space<hbm>>) target_semaphore(%run_scoped3A : memref<!tpu.dma_semaphore, #tpu.memory_space<semaphore_mem>>)
      %dma_wait3A = tpu.memref_slice %arg4[%select_n3A, %mul3A_94] : memref<8x32768xi32, #tpu.memory_space<hbm>> -> memref<1x8192xi32, #tpu.memory_space<hbm>>
      %dma_wait3A_98 = tpu.memref_squeeze %dma_wait3A : memref<1x8192xi32, #tpu.memory_space<hbm>> -> memref<8192xi32, #tpu.memory_space<hbm>>
      %dma_wait3A_99 = tpu.memref_slice %arg4[%select_n3A, %mul3A_94] : memref<8x32768xi32, #tpu.memory_space<hbm>> -> memref<1x8192xi32, #tpu.memory_space<hbm>>
      %dma_wait3A_100 = tpu.memref_squeeze %dma_wait3A_99 : memref<1x8192xi32, #tpu.memory_space<hbm>> -> memref<8192xi32, #tpu.memory_space<hbm>>
      tpu.wait_dma2 semaphore(%run_scoped3A : memref<!tpu.dma_semaphore, #tpu.memory_space<semaphore_mem>>) src(%arg13 : memref<8192xi32, #tpu.memory_space<vmem>>) dst(%dma_wait3A_100 : memref<8192xi32, #tpu.memory_space<hbm>>)
      tpu.yield
    }) : () -> ()
    return
  }
}

module attributes {stable_mosaic.version = 14 : i64} {
  func.func @_tc_apply_body(%arg0: i32, %arg1: i32, %arg2: memref<1x1024x16xi32, #tpu.memory_space<vmem>>, %arg3: memref<1x1024x1391xf32, #tpu.memory_space<vmem>>, %arg4: memref<1x1024x1391xf32, #tpu.memory_space<vmem>>) attributes {dimension_semantics = [#tpu.dimension_semantics<arbitrary>, #tpu.dimension_semantics<arbitrary>], iteration_bounds = array<i64: 8, 2>, scalar_prefetch = 0 : i64, scratch_operands = 0 : i64, tpu.core_type = #tpu.core_type<tc>, window_params = [{transform_indices = @transform_0, window_bounds = array<i64: 1, 1024, 16>}, {transform_indices = @transform_1, window_bounds = array<i64: 1, 1024, 1391>}, {transform_indices = @transform_2, window_bounds = array<i64: 1, 1024, 1391>}]} {
    %get3A = arith.constant 0 : index
    %get3A_0 = arith.constant 0 : index
    %get3A_1 = arith.constant 0 : index
    %get3A_2 = vector.load %arg2[%get3A, %get3A_0, %get3A_1] : memref<1x1024x16xi32, #tpu.memory_space<vmem>>, vector<1x1024x16xi32>
    %get3A_3 = vector.shape_cast %get3A_2 : vector<1x1024x16xi32> to vector<1024x16xi32>
    %iota3A = tpu.iota {dimensions = array<i32: 1>} : vector<1024x256xi32>
    %shift_right_arithmetic3A = arith.constant 5 : i32
    %shift_right_arithmetic3A_4 = vector.broadcast %shift_right_arithmetic3A : i32 to vector<1024x256xi32>
    %shift_right_arithmetic3A_5 = arith.shrsi %iota3A, %shift_right_arithmetic3A_4 : vector<1024x256xi32>
    %broadcast_in_dim3A = arith.constant 0 : i32
    %broadcast_in_dim3A_6 = vector.broadcast %broadcast_in_dim3A : i32 to vector<1024x256xi32>
    %eq3A = arith.constant 2 : i32
    %eq3A_7 = vector.broadcast %eq3A : i32 to vector<1024x256xi32>
    %eq3A_8 = arith.cmpi eq, %shift_right_arithmetic3A_5, %eq3A_7 : vector<1024x256xi32>
    %slice3A = vector.extract_strided_slice %get3A_3 {offsets = [0, 2], sizes = [1024, 1], strides = [1, 1]} : vector<1024x16xi32> to vector<1024x1xi32>
    %broadcast_in_dim3A_9 = vector.shape_cast %slice3A : vector<1024x1xi32> to vector<1024x1xi32>
    %broadcast_in_dim3A_10 = vector.broadcast %broadcast_in_dim3A_9 : vector<1024x1xi32> to vector<1024x256xi32>
    %select_n3A = arith.select %eq3A_8, %broadcast_in_dim3A_10, %broadcast_in_dim3A_6 : vector<1024x256xi1>, vector<1024x256xi32>
    %eq3A_11 = arith.constant 3 : i32
    %eq3A_12 = vector.broadcast %eq3A_11 : i32 to vector<1024x256xi32>
    %eq3A_13 = arith.cmpi eq, %shift_right_arithmetic3A_5, %eq3A_12 : vector<1024x256xi32>
    %slice3A_14 = vector.extract_strided_slice %get3A_3 {offsets = [0, 3], sizes = [1024, 1], strides = [1, 1]} : vector<1024x16xi32> to vector<1024x1xi32>
    %broadcast_in_dim3A_15 = vector.shape_cast %slice3A_14 : vector<1024x1xi32> to vector<1024x1xi32>
    %broadcast_in_dim3A_16 = vector.broadcast %broadcast_in_dim3A_15 : vector<1024x1xi32> to vector<1024x256xi32>
    %select_n3A_17 = arith.select %eq3A_13, %broadcast_in_dim3A_16, %select_n3A : vector<1024x256xi1>, vector<1024x256xi32>
    %eq3A_18 = arith.constant 4 : i32
    %eq3A_19 = vector.broadcast %eq3A_18 : i32 to vector<1024x256xi32>
    %eq3A_20 = arith.cmpi eq, %shift_right_arithmetic3A_5, %eq3A_19 : vector<1024x256xi32>
    %slice3A_21 = vector.extract_strided_slice %get3A_3 {offsets = [0, 4], sizes = [1024, 1], strides = [1, 1]} : vector<1024x16xi32> to vector<1024x1xi32>
    %broadcast_in_dim3A_22 = vector.shape_cast %slice3A_21 : vector<1024x1xi32> to vector<1024x1xi32>
    %broadcast_in_dim3A_23 = vector.broadcast %broadcast_in_dim3A_22 : vector<1024x1xi32> to vector<1024x256xi32>
    %select_n3A_24 = arith.select %eq3A_20, %broadcast_in_dim3A_23, %select_n3A_17 : vector<1024x256xi1>, vector<1024x256xi32>
    %eq3A_25 = arith.constant 5 : i32
    %eq3A_26 = vector.broadcast %eq3A_25 : i32 to vector<1024x256xi32>
    %eq3A_27 = arith.cmpi eq, %shift_right_arithmetic3A_5, %eq3A_26 : vector<1024x256xi32>
    %slice3A_28 = vector.extract_strided_slice %get3A_3 {offsets = [0, 5], sizes = [1024, 1], strides = [1, 1]} : vector<1024x16xi32> to vector<1024x1xi32>
    %broadcast_in_dim3A_29 = vector.shape_cast %slice3A_28 : vector<1024x1xi32> to vector<1024x1xi32>
    %broadcast_in_dim3A_30 = vector.broadcast %broadcast_in_dim3A_29 : vector<1024x1xi32> to vector<1024x256xi32>
    %select_n3A_31 = arith.select %eq3A_27, %broadcast_in_dim3A_30, %select_n3A_24 : vector<1024x256xi1>, vector<1024x256xi32>
    %eq3A_32 = arith.constant 6 : i32
    %eq3A_33 = vector.broadcast %eq3A_32 : i32 to vector<1024x256xi32>
    %eq3A_34 = arith.cmpi eq, %shift_right_arithmetic3A_5, %eq3A_33 : vector<1024x256xi32>
    %slice3A_35 = vector.extract_strided_slice %get3A_3 {offsets = [0, 6], sizes = [1024, 1], strides = [1, 1]} : vector<1024x16xi32> to vector<1024x1xi32>
    %broadcast_in_dim3A_36 = vector.shape_cast %slice3A_35 : vector<1024x1xi32> to vector<1024x1xi32>
    %broadcast_in_dim3A_37 = vector.broadcast %broadcast_in_dim3A_36 : vector<1024x1xi32> to vector<1024x256xi32>
    %select_n3A_38 = arith.select %eq3A_34, %broadcast_in_dim3A_37, %select_n3A_31 : vector<1024x256xi1>, vector<1024x256xi32>
    %and3A = arith.constant 31 : i32
    %and3A_39 = vector.broadcast %and3A : i32 to vector<1024x256xi32>
    %and3A_40 = arith.andi %iota3A, %and3A_39 : vector<1024x256xi32>
    %shift_right_arithmetic3A_41 = arith.shrsi %select_n3A_38, %and3A_40 : vector<1024x256xi32>
    %and3A_42 = arith.constant 1 : i32
    %and3A_43 = vector.broadcast %and3A_42 : i32 to vector<1024x256xi32>
    %and3A_44 = arith.andi %shift_right_arithmetic3A_41, %and3A_43 : vector<1024x256xi32>
    %get3A_45 = arith.constant 0 : index
    %get3A_46 = arith.constant 0 : index
    %get3A_47 = arith.constant 0 : index
    %get3A_48 = vector.load %arg3[%get3A_45, %get3A_46, %get3A_47] : memref<1x1024x1391xf32, #tpu.memory_space<vmem>>, vector<1x1024x768xf32>
    %get3A_49 = vector.shape_cast %get3A_48 : vector<1x1024x768xf32> to vector<1024x768xf32>
    %swap3A = arith.constant 0 : index
    %swap3A_50 = arith.constant 0 : index
    %swap3A_51 = arith.constant 0 : index
    %swap3A_52 = vector.load %arg4[%swap3A, %swap3A_50, %swap3A_51] : memref<1x1024x1391xf32, #tpu.memory_space<vmem>>, vector<1x1024x768xf32>
    %swap3A_53 = vector.shape_cast %swap3A_52 : vector<1x1024x768xf32> to vector<1024x768xf32>
    %swap3A_54 = vector.shape_cast %get3A_49 : vector<1024x768xf32> to vector<1x1024x768xf32>
    tpu.vector_store %arg4[%swap3A, %swap3A_50, %swap3A_51], %swap3A_54 {strides = array<i32>} : memref<1x1024x1391xf32, #tpu.memory_space<vmem>>, vector<1x1024x768xf32>,
    %eq3A_55 = arith.constant 1 : i32
    %eq3A_56 = vector.broadcast %eq3A_55 : i32 to vector<1024x256xi32>
    %eq3A_57 = arith.cmpi eq, %and3A_44, %eq3A_56 : vector<1024x256xi32>
    %get3A_58 = arith.constant 0 : index
    %get3A_59 = arith.constant 0 : index
    %get3A_60 = arith.constant 768 : index
    %get3A_61 = vector.load %arg3[%get3A_58, %get3A_59, %get3A_60] : memref<1x1024x1391xf32, #tpu.memory_space<vmem>>, vector<1x1024x256xf32>
    %get3A_62 = vector.shape_cast %get3A_61 : vector<1x1024x256xf32> to vector<1024x256xf32>
    %jit3A = arith.constant -1.000000e+09 : f32
    %broadcast_in_dim3A_63 = vector.broadcast %jit3A : f32 to vector<1024x256xf32>
    %select_n3A_64 = arith.select %eq3A_57, %broadcast_in_dim3A_63, %get3A_62 : vector<1024x256xi1>, vector<1024x256xf32>
    %swap3A_65 = arith.constant 0 : index
    %swap3A_66 = arith.constant 0 : index
    %swap3A_67 = arith.constant 768 : index
    %swap3A_68 = vector.load %arg4[%swap3A_65, %swap3A_66, %swap3A_67] : memref<1x1024x1391xf32, #tpu.memory_space<vmem>>, vector<1x1024x256xf32>
    %swap3A_69 = vector.shape_cast %swap3A_68 : vector<1x1024x256xf32> to vector<1024x256xf32>
    %swap3A_70 = vector.shape_cast %select_n3A_64 : vector<1024x256xf32> to vector<1x1024x256xf32>
    tpu.vector_store %arg4[%swap3A_65, %swap3A_66, %swap3A_67], %swap3A_70 {strides = array<i32>} : memref<1x1024x1391xf32, #tpu.memory_space<vmem>>, vector<1x1024x256xf32>,
    %get3A_71 = arith.constant 0 : index
    %get3A_72 = arith.constant 0 : index
    %get3A_73 = arith.constant 1024 : index
    %get3A_74 = vector.load %arg3[%get3A_71, %get3A_72, %get3A_73] : memref<1x1024x1391xf32, #tpu.memory_space<vmem>>, vector<1x1024x367xf32>
    %get3A_75 = vector.shape_cast %get3A_74 : vector<1x1024x367xf32> to vector<1024x367xf32>
    %swap3A_76 = arith.constant 0 : index
    %swap3A_77 = arith.constant 0 : index
    %swap3A_78 = arith.constant 1024 : index
    %swap3A_79 = vector.load %arg4[%swap3A_76, %swap3A_77, %swap3A_78] : memref<1x1024x1391xf32, #tpu.memory_space<vmem>>, vector<1x1024x367xf32>
    %swap3A_80 = vector.shape_cast %swap3A_79 : vector<1x1024x367xf32> to vector<1024x367xf32>
    %swap3A_81 = vector.shape_cast %get3A_75 : vector<1024x367xf32> to vector<1x1024x367xf32>
    tpu.vector_store %arg4[%swap3A_76, %swap3A_77, %swap3A_78], %swap3A_81 {strides = array<i32>} : memref<1x1024x1391xf32, #tpu.memory_space<vmem>>, vector<1x1024x367xf32>,
    return
  }
  func.func @transform_0(%arg0: i32, %arg1: i32) -> (i32, i32, i32) {
    %c0_i32 = arith.constant 0 : i32
    %c0_i32_0 = arith.constant 0 : i32
    return %arg0, %arg1, %c0_i32 : i32, i32, i32
  }
  func.func @transform_1(%arg0: i32, %arg1: i32) -> (i32, i32, i32) {
    %c0_i32 = arith.constant 0 : i32
    %c0_i32_0 = arith.constant 0 : i32
    return %arg0, %arg1, %c0_i32 : i32, i32, i32
  }
  func.func @transform_2(%arg0: i32, %arg1: i32) -> (i32, i32, i32) {
    %c0_i32 = arith.constant 0 : i32
    %c0_i32_0 = arith.constant 0 : i32
    return %arg0, %arg1, %c0_i32 : i32, i32, i32
  }
}

</mosaic_0001>

<sc_bundles>
// kernel: kernel.4.cloned.1.call-start
scs
__scs_entry_jumppad:
0x0: {  	(pc) =	sbr.rel $0x88, $3  }
0x1: {  	(tag) =	ssettag $0x0;
	lr =	simm.s32 $0x1  }
0x2: {  	[smem:$0x3F9E] =	sst lr;
	_ =	strace $0xD0000000  }
0x3: {  	_ = 	snop  }
0x4: {  	_ = 	snop  }
0x5: {  	_ = 	snop  }
0x6: {  	_ = 	snop  }
0x7: {  	_ = 	snop  }
__scs_overlays_trampoline_lowered:
0x8: {  	[smem:$0x3FAD] =	sst s0  }
0x9: {  	[smem:$0x3FAE] =	sst s1  }
0xa: {  	[smem:$0x3FAF] =	sst s2  }
0xb: {  	[smem:$0x3FB0] =	sst s3  }
0xc: {  	[smem:$0x3FB1] =	sst s4  }
0xd: {  	[smem:$0x3FB2] =	sst s5  }
0xe: {  	[smem:$0x3FB3] =	sst s6  }
0xf: {  	[smem:$0x3FB4] =	sst s7  }
0x10: {  	[smem:$0x3FB5] =	sst s8  }
0x11: {  	[smem:$0x3FB6] =	sst s9;
	s0 =	simm.s32 @!p0 $0x0  }
0x12: {  	s1 =	sld [smem:$0x3F9C];
	s0 =	simm.s32 @p0 $0x1  }
0x13: {  	[smem:$0x3FB7] =	sst s0;
	s0 =	simm.s32 @!p1 $0x0  }
0x14: {  	s2 =	sld [smem:$0x3F9B];
	s0 =	simm.s32 @p1 $0x1  }
0x15: {  	[smem:$0x3FB8] =	sst s0;
	s0 =	simm.s32 @!p2 $0x0  }
0x16: {  	s3 =	sld [smem:$0x3FDB];
	s0 =	simm.s32 @p2 $0x1  }
0x17: {  	s4 =	simm.s32 $0x1BF5;
	[smem:$0x3FBA] =	sst s0  }
0x18: {  	s0 =	sld [smem:$0x3F9D];
	_ =	swait.ge [sflag:s4], $0x0  }
0x19: {  	s7 =	sld [smem:$0x3F9E]  }
0x1a: {  	s8 =	sadd.s32 $0xFFFFE003, lr  }
0x1b: {  	s9 =	sadd.s32 $0xFFFFFEF7, lr;
	s5 =	simm.s32 $0xFFFFFFFF;
	p2 =	slt.u32 s8, $0xFFFFF086  }
0x1c: {  	p1 =	slt.u32 s9, $0xF7A;
	s5 =	simm.s32 @!p2 $0x0  }
0x1d: {  	s5 =	simm.s32 @p1 $0x1;
	p0 =	seq.s32 s7, s2  }
0x1e: {  	s7 =	smul.u32 @!p0 $0xF7A, s2;
	p2 =	seq.s32 @!p0 s5, $0x0  }
0x1f: {  	s9 =	smul.u32 $0xF7A, s1;
	s8 =	simm.s32 @!p0 $0x1BF5;
	p2 =	por !p2, p0  }
0x20: {  	[sflag:s8] =	ssyncset.s32 @!p0 $0xFFFFF086;
	s6 =	sadd.s32 @!p0 s3, s7;
	s7 =	simm.s32 @!p0 $0x108  }
0x21: {  	s3 =	sadd.s32 s3, s9;
	s6 =	sadd.s32 @!p0 $0x88, s6;
	s7 =	simm.s32 @p2 $0x1082  }
0x22: {  	[simem:s7], [sflag:s8] =	dma.local @!p0 [hbm:s6], $0xF7A  }
0x23: {  	s9 =	sor.u32 $0xD0000000, s2;
	s6 =	simm.s32 $0x108;
	_ =	swait.ge @!p0 [sflag:s8], $0x0  }
0x24: {  	s3 =	sadd.s32 $0x88, s3;
	s6 =	simm.s32 @!p1 $0x1082;
	[sflag:s4] =	ssyncset.s32 $0xFFFFF086  }
0x25: {  	[simem:s6], [sflag:s4] =	dma.local [hbm:s3], $0xF7A  }
0x26: {  	[smem:$0x3F9E] =	sst s1;
	(tag) =	ssettag s2;
	_ =	strace s9  }
0x27: {  	s1 =	sld [smem:$0x3FAE]  }
0x28: {  	s2 =	sld [smem:$0x3FAF]  }
0x29: {  	s4 =	sld [smem:$0x3FB1]  }
0x2a: {  	p0 =	seq.s32 s5, $0x0;
	s5 =	sld [smem:$0x3FB2]  }
0x2b: {  	s6 =	sld [smem:$0x3FB3]  }
0x2c: {  	s7 =	sld [smem:$0x3FB4]  }
0x2d: {  	s3 =	simm.s32 $0x108;
	s8 =	sld [smem:$0x3FB5]  }
0x2e: {  	s3 =	simm.s32 @!p0 $0x1082;
	s9 =	sld [smem:$0x3FB6]  }
0x2f: {  	lr =	sadd.s32 s0, s3;
	s0 =	sld [smem:$0x3FAD]  }
0x30: {  	s3 =	sld [smem:$0x3FB0]  }
0x31: {  	[smem:$0x3FB9] =	sst s10  }
0x32: {  	s10 =	sld [smem:$0x3FB7];
	_ =	sdelay $0x3  }
0x33: {  	p0 =	seq.s32 s10, $0x1;
	s10 =	sld [smem:$0x3FB9];
	_ =	sdelay $0x3  }
0x34: {  	[smem:$0x3FB9] =	sst s10  }
0x35: {  	s10 =	sld [smem:$0x3FB8];
	_ =	sdelay $0x3  }
0x36: {  	p1 =	seq.s32 s10, $0x1;
	s10 =	sld [smem:$0x3FB9];
	_ =	sdelay $0x3  }
0x37: {  	[smem:$0x3FB9] =	sst s10  }
0x38: {  	s10 =	sld [smem:$0x3FBA]  }
0x39: {  	_ = 	snop;
	(pc) =	sbr.ind lr, $3  }
0x3a: {  	_ = 	snop  }
0x3b: {  	_ = 	snop  }
0x3c: {  	p2 =	seq.s32 s10, $0x1;
	s10 =	sld [smem:$0x3FB9]  }
0x3d: {  	_ =	shalt  }
0x3e: {  	_ =	shalt  }
0x3f: {  	_ =	shalt  }
0x40: {  	_ =	shalt  }
0x41: {  	_ =	shalt  }
0x42: {  	_ =	shalt  }
0x43: {  	_ =	shalt  }
0x44: {  	_ =	shalt  }
0x45: {  	_ =	shalt  }
0x46: {  	_ =	shalt  }
0x47: {  	_ =	shalt  }
0x48: {  	_ =	shalt  }
0x49: {  	_ =	shalt  }
0x4a: {  	_ =	shalt  }
0x4b: {  	_ =	shalt  }
0x4c: {  	_ =	shalt  }
0x4d: {  	_ =	shalt  }
0x4e: {  	_ =	shalt  }
0x4f: {  	_ =	shalt  }
0x50: {  	_ =	shalt  }
0x51: {  	_ =	shalt  }
0x52: {  	_ =	shalt  }
0x53: {  	_ =	shalt  }
0x54: {  	_ =	shalt  }
0x55: {  	_ =	shalt  }
0x56: {  	_ =	shalt  }
0x57: {  	_ =	shalt  }
0x58: {  	_ =	shalt  }
0x59: {  	_ =	shalt  }
0x5a: {  	_ =	shalt  }
0x5b: {  	_ =	shalt  }
0x5c: {  	_ =	shalt  }
0x5d: {  	_ =	shalt  }
0x5e: {  	_ =	shalt  }
0x5f: {  	_ =	shalt  }
0x60: {  	_ =	shalt  }
0x61: {  	_ =	shalt  }
0x62: {  	_ =	shalt  }
0x63: {  	_ =	shalt  }
0x64: {  	_ =	shalt  }
0x65: {  	_ =	shalt  }
0x66: {  	_ =	shalt  }
0x67: {  	_ =	shalt  }
0x68: {  	_ =	shalt  }
0x69: {  	_ =	shalt  }
0x6a: {  	_ =	shalt  }
0x6b: {  	_ =	shalt  }
0x6c: {  	_ =	shalt  }
0x6d: {  	_ =	shalt  }
0x6e: {  	_ =	shalt  }
0x6f: {  	_ =	shalt  }
0x70: {  	_ =	shalt  }
0x71: {  	_ =	shalt  }
0x72: {  	_ =	shalt  }
0x73: {  	_ =	shalt  }
0x74: {  	_ =	shalt  }
0x75: {  	_ =	shalt  }
0x76: {  	_ =	shalt  }
0x77: {  	_ =	shalt  }
0x78: {  	_ =	shalt  }
0x79: {  	_ =	shalt  }
0x7a: {  	_ =	shalt  }
0x7b: {  	_ =	shalt  }
0x7c: {  	_ =	shalt  }
0x7d: {  	_ =	shalt  }
0x7e: {  	_ =	shalt  }
0x7f: {  	_ =	shalt  }
0x80: {  	_ =	shalt  }
0x81: {  	_ =	shalt  }
0x82: {  	_ =	shalt  }
0x83: {  	_ =	shalt  }
0x84: {  	_ =	shalt  }
0x85: {  	_ =	shalt  }
0x86: {  	_ =	shalt  }
0x87: {  	_ =	shalt  }
.Lfunc_end0:
.L_simem_size_0:
called_computation_lowered:
.L_overlay_start_0:
0x88: {  	s2 =	sld [smem:$0x3FD9]  }
0x89: {  	s3 =	sld [smem:$0x3FFE];
	_ =	sdelay $0x1  }
0x8a: {  	s1 =	srdreg.scid  }
0x8b: {  	s0 =	sand.u32 $0x1, s1  }
0x8c: {  	s17 =	sshll.u32 s0, $0xA;
	s2 =	sadd.s32 s3, s2  }
0x8d: {  	s2 =	sadd.s32 s2, s17  }
0x8e: {  	[smem:$0x3FC5] =	sst s2  }
0x8f: {  	_ = 	snop  }
0x90: {  	s2 =	sld [smem:$0x3FD0];
	(tm) =	ssettm $0x1  }
0x91: {  	s18 =	sld [smem:$0x3FFB];
	_ =	sdelay $0x3  }
0x92: {  	_ =	strace s18  }
0x93: {  	s3 =	sld [smem:$0x3FFC];
	_ =	sdelay $0x3  }
0x94: {  	_ =	strace s3  }
0x95: {  	s3 =	sld [smem:$0x3FFD];
	_ =	sdelay $0x3  }
0x96: {  	_ =	strace s3  }
0x97: {  	_ =	strace $0x8FFFFFFF  }
0x98: {  	s19 =	sld [smem:$0x3FDB];
	_ =	sdelay $0x1  }
0x99: {  	s4 =	simm.s32 $_scs_section_size  }
0x9a: {  	s5 =	simm.s32 $_size__tile_overlayer_lowered;
	s6 =	simm.s32 $_tile_overlayer_lowered  }
0x9b: {  	s22 =	simm.s32 $0x1BFF;
	s21 =	sshll.u32 s6, $0x1;
	s3 =	sadd.s32 s4, s19  }
0x9c: {  	s7 =	simm.s32 $0x0;
	s20 =	sshll.u32 s5, $0x1;
	s5 =	sadd.s32 s21, s3  }
0x9d: {  	[timem:s7], [sflag:s22] =	dma.local [hbm:s5], s20  }
0x9e: {  	_ =	swait.ge [sflag:s22], s20  }
0x9f: {  	s4 =	ssub.s32 $0x0, s20;
	[sflag:s22] =	ssyncset.done $0x0  }
0xa0: {  	[sflag:s22] =	ssyncadd.s32 s4;
	_ =	sdelay $0x1  }
0xa1: {  	s23 =	simm.s32 $0x1B8B  }
0xa2: {  	_ =	swait.ge [sflag:s23], $0x1  }
0xa3: {  	[sflag:s23] =	ssyncset.done $0x0  }
0xa4: {  	s25 =	simm.s32 $0x1B8E;
	s24 =	sld [smem:$0x3FFE];
	[sflag:s23] =	ssyncadd.s32 $0xFFFFFFFF  }
0xa5: {  	s26 =	simm.s32 $execute0_lowered;
	[smem:$0x3FD2] =	sst s25  }
0xa6: {  	s5 =	sshll.u32 s26, $0x1;
	_ =	strace $0x80000046;
	[dreg:$0x1] =	wrdreg $0xFFFFFFFF  }
0xa7: {  	s28 =	simm.s32 $_size_execute0_lowered;
	s3 =	sadd.s32 s3, s5;
	[dreg:$0x0] =	wrdreg $0x0  }
0xa8: {  	s5 =	sshll.u32 s28, $0x1;
	[dreg:$0x2] =	wrdreg s3  }
0xa9: {  	[dreg:$0x3] =	wrdreg s5  }
0xaa: {  	[dreg:$0x4] =	wrdreg $0xC0  }
0xab: {  	_ =	task [dreg:s7], $0x5FFFF  }
0xac: {  	[dreg:$0x1] =	wrdreg $0xFFFFFFFF  }
0xad: {  	[dreg:$0x0] =	wrdreg $0x60  }
0xae: {  	[dreg:$0x2] =	wrdreg s2  }
0xaf: {  	[dreg:$0x3] =	wrdreg s24  }
0xb0: {  	[dreg:$0x4] =	wrdreg $0x9  }
0xb1: {  	_ =	task.clear_ibuf [dreg:s7], $0x5FFFF;
	_ =	strace $0x90000046  }
0xb2: {  	s29 =	simm.s32 $0x9;
	_ =	strace $0x80000048  }
0xb3: {  	_ =	swait.ge [sflag:s29], $0x1  }
0xb4: {  	[sflag:s29] =	ssyncadd.s32 $0xFFFFFFFF  }
0xb5: {  	_ =	strace $0x90000048  }
0xb6: {  	_ =	sfence  }
0xb7: {  	s30 =	sld [smem:$0x0];
	_ =	sdelay $0x2  }
0xb8: {  	s31 =	sshll.u32 s1, $0xD;
	s1 =	sshrl.u32 s1, $0x2  }
0xb9: {  	s3 =	sand.u32 $0x4000, s31;
	s1 =	sadd.s32 s1, s30  }
0xba: {  	s0 =	sor.u32 s3, s0;
	s1 =	sshll.u32 s1, $0x11  }
0xbb: {  	s0 =	sor.u32 s1, s0  }
0xbc: {  	s0 =	sadd.s32 $0x8F2B, s0  }
0xbd: {  	[sflag:s0] =	ssyncadd.remote.s32 $0x1  }
0xbe: {  	_ =	sfence.sel $0xFFFF  }
0xbf: {  	[dreg:$0x0] =	wrdreg $0xFFFFFFFF;
	(pc) =	sbr.abs _section_cstart, $3  }
0xc0: {  	[dreg:$0x1] =	wrdreg $0xFFFFFFFF  }
0xc1: {  	_ =	task.clear_ibuf [dreg:s7], $0x2FFFF;
	_ =	strace $0x9FFFFFFF  }
0xc2: {  	(tm) =	ssettm $0x7FFFFFFF  }
0xc3: {  	_ =	shalt  }
tec
execute0_lowered:
.L_overlay_start_1:
0x0: {  	(tag) =	ssettag $0x1  }
0x1: {  	s0 =	srdreg.scid  }
0x2: {  	s22 =	stileid.u32;
	s5 =	rddreg [dreg:$0x0]  }
0x3: {  	s3 =	simm.s32 $0x1;
	s7 =	rddreg [dreg:$0x1];
	s2 =	simm.s32 $0x0  }
0x4: {  	s18 =	simm.s32 $0x0;
	s4 =	sand.u32 $0x1, s0;
	s15 =	sand.u32 $0x3, s22  }
0x5: {  	[smem:$0x7FF] =	sst s2;
	s30 =	sshll.u32 s22, $0x4;
	s1 =	sshll.u32 s4, $0x4  }
0x6: {  	p1 =	sne.s32 s15, $0x0;
	s11 =	sshll.u32 s15, $0xC;
	s6 =	sor.u32 s22, s1  }
0x7: {  	_ =	strace $0x80000047;
	s4 =	ssub.s32 $0x2, s4;
	p0 =	seq.s32 s6, $0x0  }
0x8: {  	s23 =	sshll.u32 s15, $0x10;
	s25 =	sshrl.u32 s4, $0x1;
	p0 =	por !p1, !p0  }
0x9: {  	s1 =	simm.s32 $0x80;
	s8 =	sshrl.u32 s6, $0x2;
	p0 =	por !p0, !p0  }
0xa: {  	s26 =	ssub.s32 s4, s25;
	s6 =	sshll.u32 s6, $0x4;
	s3 =	simm.s32 @!p0 $0x0  }
0xb: {  	s31 =	sand.u32 $0x180, s6;
	p0 =	seq.s32 s15, $0x0;
	s8 =	ssub.s32 s8, s3  }
0xc: {  	p4 =	seq.s32 @!p0 s15, $0x1;
	s3 =	sshrl.u32 s8, $0x3;
	s9 =	sshll.u32 s8, $0x7  }
0xd: {  	v0 =	vimm.s32 $0x8040201;
	s13 =	smul.u32 $0x40400, s8;
	s8 =	sshll.u32 s8, $0x6;
	p1 =	por p4, p0  }
0xe: {  	v1 =	vimm.s32 $0x80402010;
	s10 =	sshll.u32 s3, $0xE;
	s9 =	sand.u32 $0x380, s9;
	s3 =	sshll.u32 s3, $0x12  }
0xf: {  	v0 =	vunpack.c.0.s8.s32 v0;
	v1 =	vunpack.c.0.s8.s32 v1;
	s8 =	sand.u32 $0x1FFFFFC0, s8;
	p2 =	sne.s32 @!p1 s15, $0x3;
	s15 =	simm.s32 $0x10880  }
0x10: {  	vm0 =	vcmask $0xF00;
	s10 =	sor.u32 s11, s10;
	s12 =	sor.u32 s23, s3;
	s3 =	simm.s32 $0x1  }
0x11: {  	vm8 =	vcmask $0x1F10;
	v0 =	vnsel vm0, $0x8000, v0;
	v1 =	vand.u32 $0xFF, v1;
	s11 =	sadd.s32 s23, s13;
	s13 =	simm.s32 $0x400;
	p3 =	por @!p0 p2, p4  }
0x12: {  	vm9 =	vcmask $0x2320;
	v0 =	vsel vm8, v1, v0;
	p5 =	por @!p0 !p2, p4;
	p4 =	por !p4, p0;
	s10 =	sor.u32 s9, s10  }
0x13: {  	vm10 =	vcmask $0x2724;
	v0 =	vsel vm9, $0x100, v0;
	s9 =	sor.u32 s9, s12;
	s11 =	sshrl.u32 s11, $0x3;
	p2 =	por p3, p0  }
0x14: {  	vm11 =	vcmask $0x2B28;
	v0 =	vsel vm10, $0x200, v0;
	p3 =	por !p5, p0;
	s10 =	sshrl.u32 s10, $0x3;
	s9 =	sshrl.u32 s9, $0x3  }
0x15: {  	vm12 =	vcmask $0x2F2C;
	v0 =	vsel vm11, $0x400, v0;
	s28 =	sadd.s32 s5, s11;
	s11 =	smax.u32 s26, $0x1;
	s10 =	sadd.s32 s10, s7  }
0x16: {  	vm13 =	vcmask $0x3330;
	v1 =	vsel vm12, $0x800, v0;
	s24 =	sadd.s32 s9, s7;
	s7 =	sadd.s32 $0x1000, s7;
	s9 =	sand.u32 $0x70, s30  }
0x17: {  	vm14 =	vcmask $0x3734;
	vm15 =	vcmask $0x3B38;
	v2 =	vsel vm13, $0x1000, v1;
	[dreg:$0x3] =	wrdreg s28;
	s29 =	sadd.s32 $0x800, s10;
	s9 =	sadd.s32 s7, s9  }
0x18: {  	v4 =	vimm.s32 $0x0;
	v0 =	vlaneseq.u32;
	v3 =	vsel vm14, $0x2000, v2;
	s6 =	sadd.s32 s7, s8;
	s10 =	sadd.s32 $0x1200, s24;
	[dreg:$0x4] =	wrdreg s29  }
0x19: {  	v1 =	vimm.f32 $1.000000000e+00;
	v2 =	vimm.f32 $0.0e+00;
	v3 =	vsel vm15, $0x4000, v3;
	s7 =	sadd.s32 s31, s9;
	s8 =	sadd.s32 $0x10, s6;
	s9 =	sadd.s32 $0x20, s6  }
.LBB2_1:
0x1a: {  	s0 =	rddreg [dreg:$0x3]  }
0x1b: {  	v5 =	vor.u32 s2, v0;
	[tilespmem:s2], [sflag:$0x1] =	stream.linear.gather [hbm4b:s0+s2], $0x10400, $0x38;
	[tilespmem:$0x12B00] =	vst v63  }
0x1c: {  	vm0 =	vlt.s32 v5, $0x200;
	_ =	swait.ge [sflag:s3], $0x10400  }
0x1d: {  	v5 =	vnsel vm0, $0x200, v5;
	[sflag:s3] =	ssyncset.done $0x0  }
0x1e: {  	s4 =	simm.s32 $0x10400;
	v5 =	vshll.u32 v5, $0x7;
	s31 =	rddreg [dreg:$0x4];
	[sflag:s3] =	ssyncadd.s32 $0xFFFEFC00  }
0x1f: {  	v6 =	vor.u32 $0x6, v5;
	[tilespmem:s4], [sflag:$0x1] =	stream.strided.gather [hbm4b:s31+s1], $0x200, s13, s1, $0x38;
	[tilespmem:$0x12B00] =	vst v63  }
0x20: {  	_ =	swait.ge [sflag:s3], $0x200  }
0x21: {  	[sflag:s3] =	ssyncset.done $0x0  }
0x22: {  	[sflag:s3] =	ssyncadd.s32 $0xFFFFFE00  }
0x23: {  	s19 =	simm.s32 $0x10;
	v5 =	vld.idx.msk [tilespmem:v5+s2+$0x0], $0xffff  }
0x24: {  	v7 =	vor.u32 s19, v0;
	v6 =	vld.idx.msk [tilespmem:v6+s2+$0x0], $0xffff  }
0x25: {  	vm14 =	vlt.s32 v7, $0x200  }
0x26: {  	v7 =	vnsel vm14, $0x200, v7  }
0x27: {  	v7 =	vshll.u32 v7, $0x7  }
0x28: {  	v8 =	vor.u32 $0x6, v7  }
0x29: {  	vm15 =	veq.s32 v5, $0x1;
	v5 =	vadd.s32 $0x54, v6  }
0x2a: {  	s19 =	simm.s32 $0x10600;
	v5 =	vnsel vm15, $0xFF, v5  }
0x2b: {  	[tilespmem:s19+$0x0] =	vst v5  }
0x2c: {  	s20 =	simm.s32 $0x20;
	v5 =	vld.idx.msk [tilespmem:v7+s2+$0x0], $0xffff  }
0x2d: {  	v6 =	vld.idx.msk [tilespmem:v8+s2+$0x0], $0xffff;
	v7 =	vor.u32 s20, v0;
	s20 =	simm.s32 $0x30  }
.LBB2_2:
0x2e: {  	p5 =	sne.s32 s20, $0x200;
	vm0 =	vlt.s32 v7, $0x200  }
0x2f: {  	v7 =	vnsel vm0, $0x200, v7  }
0x30: {  	v7 =	vshll.u32 v7, $0x7  }
0x31: {  	v8 =	vor.u32 $0x6, v7  }
0x32: {  	vm0 =	veq.s32 v5, $0x1;
	v5 =	vadd.s32 $0x54, v6  }
.Ltmp0:
0x33: {  	s19 =	sadd.s32 $0x10, s19;
	v5 =	vnsel vm0, $0xFF, v5;
	(pc) =	sbr.rel @p5 .LBB2_2-.Ltmp0, $4  }
0x34: {  	[tilespmem:s19+$0x0] =	vst v5  }
0x35: {  	v5 =	vld.idx.msk [tilespmem:v7+s2+$0x0], $0xffff  }
0x36: {  	v6 =	vld.idx.msk [tilespmem:v8+s2+$0x0], $0xffff  }
0x37: {  	v7 =	vor.u32 s20, v0;
	s20 =	sadd.s32 $0x10, s20  }
0x38: {  	vm0 =	vlt.s32 v7, $0x200  }
0x39: {  	v7 =	vnsel vm0, $0x200, v7  }
0x3a: {  	v7 =	vshll.u32 v7, $0x7  }
0x3b: {  	v8 =	vor.u32 $0x6, v7  }
0x3c: {  	vm0 =	veq.s32 v5, $0x1;
	v5 =	vadd.s32 $0x54, v6  }
0x3d: {  	s19 =	sadd.s32 $0x10, s19;
	v5 =	vnsel vm0, $0xFF, v5  }
0x3e: {  	[tilespmem:s19+$0x0] =	vst v5  }
0x3f: {  	v5 =	vld.idx.msk [tilespmem:v7+s2+$0x0], $0xffff  }
0x40: {  	v6 =	vld.idx.msk [tilespmem:v8+s2+$0x0], $0xffff;
	_ =	sdelay $0x4  }
0x41: {  	vm0 =	veq.s32 v5, $0x1;
	v5 =	vadd.s32 $0x54, v6  }
0x42: {  	s19 =	sadd.s32 $0x10, s19;
	v5 =	vnsel vm0, $0xFF, v5  }
0x43: {  	[tilespmem:s19+$0x0] =	vst v5  }
0x44: {  	[tilespmem:$0x10880] =	vst v1  }
0x45: {  	[tilespmem:$0x10890] =	vst v1  }
0x46: {  	[tilespmem:$0x108A0] =	vst v1  }
0x47: {  	[tilespmem:$0x108B0] =	vst v1  }
0x48: {  	[tilespmem:$0x108C0] =	vst v1  }
0x49: {  	[tilespmem:$0x108D0] =	vst v1  }
0x4a: {  	[tilespmem:$0x108E0] =	vst v1  }
0x4b: {  	[tilespmem:$0x108F0] =	vst v1  }
0x4c: {  	[tilespmem:$0x10900] =	vst v1;
	v5 =	vld [tilespmem:$0x10600]  }
0x4d: {  	[tilespmem:$0x10910] =	vst v1  }
0x4e: {  	[tilespmem:$0x10920] =	vst v1  }
0x4f: {  	[tilespmem:$0x10930] =	vst v1  }
0x50: {  	[tilespmem:$0x10940] =	vst v1  }
0x51: {  	[tilespmem:$0x10950] =	vst v1  }
0x52: {  	[tilespmem:$0x10960] =	vst v1  }
0x53: {  	[tilespmem:$0x10970] =	vst v1  }
0x54: {  	[tilespmem:v5+s15+$0x0] =	vst.idx.msk $0xffff, v2  }
0x55: {  	v5 =	vld [tilespmem:$0x10610];
	_ =	sdelay $0x7  }
0x56: {  	[tilespmem:v5+s15+$0x0] =	vst.idx.msk $0xffff, v2  }
0x57: {  	v5 =	vld [tilespmem:$0x10620];
	_ =	sdelay $0x7  }
0x58: {  	[tilespmem:v5+s15+$0x0] =	vst.idx.msk $0xffff, v2  }
0x59: {  	v5 =	vld [tilespmem:$0x10630];
	_ =	sdelay $0x7  }
0x5a: {  	[tilespmem:v5+s15+$0x0] =	vst.idx.msk $0xffff, v2  }
0x5b: {  	v5 =	vld [tilespmem:$0x10640];
	_ =	sdelay $0x7  }
0x5c: {  	[tilespmem:v5+s15+$0x0] =	vst.idx.msk $0xffff, v2  }
0x5d: {  	v5 =	vld [tilespmem:$0x10650];
	_ =	sdelay $0x7  }
0x5e: {  	[tilespmem:v5+s15+$0x0] =	vst.idx.msk $0xffff, v2  }
0x5f: {  	v5 =	vld [tilespmem:$0x10660];
	_ =	sdelay $0x7  }
0x60: {  	[tilespmem:v5+s15+$0x0] =	vst.idx.msk $0xffff, v2  }
0x61: {  	v5 =	vld [tilespmem:$0x10670];
	_ =	sdelay $0x7  }
0x62: {  	[tilespmem:v5+s15+$0x0] =	vst.idx.msk $0xffff, v2  }
0x63: {  	v5 =	vld [tilespmem:$0x10680];
	_ =	sdelay $0x7  }
0x64: {  	[tilespmem:v5+s15+$0x0] =	vst.idx.msk $0xffff, v2  }
0x65: {  	v5 =	vld [tilespmem:$0x10690];
	_ =	sdelay $0x7  }
0x66: {  	[tilespmem:v5+s15+$0x0] =	vst.idx.msk $0xffff, v2  }
0x67: {  	v5 =	vld [tilespmem:$0x106A0];
	_ =	sdelay $0x7  }
0x68: {  	[tilespmem:v5+s15+$0x0] =	vst.idx.msk $0xffff, v2  }
0x69: {  	v5 =	vld [tilespmem:$0x106B0];
	_ =	sdelay $0x7  }
0x6a: {  	[tilespmem:v5+s15+$0x0] =	vst.idx.msk $0xffff, v2  }
0x6b: {  	v5 =	vld [tilespmem:$0x106C0];
	_ =	sdelay $0x7  }
0x6c: {  	[tilespmem:v5+s15+$0x0] =	vst.idx.msk $0xffff, v2  }
0x6d: {  	v5 =	vld [tilespmem:$0x106D0];
	_ =	sdelay $0x7  }
0x6e: {  	[tilespmem:v5+s15+$0x0] =	vst.idx.msk $0xffff, v2  }
0x6f: {  	v5 =	vld [tilespmem:$0x106E0];
	_ =	sdelay $0x7  }
0x70: {  	[tilespmem:v5+s15+$0x0] =	vst.idx.msk $0xffff, v2  }
0x71: {  	v5 =	vld [tilespmem:$0x106F0];
	_ =	sdelay $0x7  }
0x72: {  	[tilespmem:v5+s15+$0x0] =	vst.idx.msk $0xffff, v2  }
0x73: {  	v5 =	vld [tilespmem:$0x10700];
	_ =	sdelay $0x7  }
0x74: {  	[tilespmem:v5+s15+$0x0] =	vst.idx.msk $0xffff, v2  }
0x75: {  	v5 =	vld [tilespmem:$0x10710];
	_ =	sdelay $0x7  }
0x76: {  	[tilespmem:v5+s15+$0x0] =	vst.idx.msk $0xffff, v2  }
0x77: {  	v5 =	vld [tilespmem:$0x10720];
	_ =	sdelay $0x7  }
0x78: {  	[tilespmem:v5+s15+$0x0] =	vst.idx.msk $0xffff, v2  }
0x79: {  	v5 =	vld [tilespmem:$0x10730];
	_ =	sdelay $0x7  }
0x7a: {  	[tilespmem:v5+s15+$0x0] =	vst.idx.msk $0xffff, v2  }
0x7b: {  	v5 =	vld [tilespmem:$0x10740];
	_ =	sdelay $0x7  }
0x7c: {  	[tilespmem:v5+s15+$0x0] =	vst.idx.msk $0xffff, v2  }
0x7d: {  	v5 =	vld [tilespmem:$0x10750];
	_ =	sdelay $0x7  }
0x7e: {  	[tilespmem:v5+s15+$0x0] =	vst.idx.msk $0xffff, v2  }
0x7f: {  	v5 =	vld [tilespmem:$0x10760];
	_ =	sdelay $0x7  }
0x80: {  	[tilespmem:v5+s15+$0x0] =	vst.idx.msk $0xffff, v2  }
0x81: {  	v5 =	vld [tilespmem:$0x10770];
	_ =	sdelay $0x7  }
0x82: {  	[tilespmem:v5+s15+$0x0] =	vst.idx.msk $0xffff, v2  }
0x83: {  	v5 =	vld [tilespmem:$0x10780];
	_ =	sdelay $0x7  }
0x84: {  	[tilespmem:v5+s15+$0x0] =	vst.idx.msk $0xffff, v2  }
0x85: {  	v5 =	vld [tilespmem:$0x10790];
	_ =	sdelay $0x7  }
0x86: {  	[tilespmem:v5+s15+$0x0] =	vst.idx.msk $0xffff, v2  }
0x87: {  	v5 =	vld [tilespmem:$0x107A0];
	_ =	sdelay $0x7  }
0x88: {  	[tilespmem:v5+s15+$0x0] =	vst.idx.msk $0xffff, v2  }
0x89: {  	v5 =	vld [tilespmem:$0x107B0];
	_ =	sdelay $0x7  }
0x8a: {  	[tilespmem:v5+s15+$0x0] =	vst.idx.msk $0xffff, v2  }
0x8b: {  	v5 =	vld [tilespmem:$0x107C0];
	_ =	sdelay $0x7  }
0x8c: {  	[tilespmem:v5+s15+$0x0] =	vst.idx.msk $0xffff, v2  }
0x8d: {  	v5 =	vld [tilespmem:$0x107D0];
	_ =	sdelay $0x7  }
0x8e: {  	[tilespmem:v5+s15+$0x0] =	vst.idx.msk $0xffff, v2  }
0x8f: {  	v5 =	vld [tilespmem:$0x107E0];
	_ =	sdelay $0x7  }
0x90: {  	[tilespmem:v5+s15+$0x0] =	vst.idx.msk $0xffff, v2  }
0x91: {  	v5 =	vld [tilespmem:$0x107F0];
	_ =	sdelay $0x7  }
0x92: {  	s28 =	simm.s32 $0x10890;
	[tilespmem:v5+s15+$0x0] =	vst.idx.msk $0xffff, v2  }
0x93: {  	v5 =	vld [tilespmem:s28+$0xFFFFFFF0];
	_ =	sdelay $0x4  }
0x94: {  	vm0 =	veq.f32 v5, $0.0e+00  }
0x95: {  	v5 =	vnsel vm0, $0x0, v3  }
0x96: {  	(xrf0) =	vadd.scan.msk.s32 $0xffff, v5;
	_ =	sdelay $0x2  }
0x97: {  	s29 =	simm.s32 $0x108B0;
	v5 =	vld [tilespmem:s28+$0x0]  }
0x98: {  	v6 =	vld [tilespmem:s29+$0xFFFFFFF0]  }
0x99: {  	s30 =	simm.s32 $0x108D0;
	v7 =	vld [tilespmem:s29+$0x0]  }
0x9a: {  	v9 =	vld [tilespmem:s30+$0xFFFFFFF0];
	v8, _, _ =	vpop (xrf0)  }
0x9b: {  	(v2sf) =	vpush v8, $0xF;
	v8 =	vld [tilespmem:s30+$0x0]  }
0x9c: {  	vm0 =	veq.f32 v5, $0.0e+00  }
0x9d: {  	v5 =	vnsel vm0, $0x0, v3;
	vm0 =	veq.f32 v6, $0.0e+00  }
0x9e: {  	(xrf0) =	vadd.scan.msk.s32 $0xffff, v5;
	v5 =	vnsel vm0, $0x0, v3;
	vm0 =	veq.f32 v7, $0.0e+00  }
0x9f: {  	v6 =	vnsel vm0, $0x0, v3;
	vm0 =	veq.f32 v9, $0.0e+00  }
0xa0: {  	(xrf0) =	vadd.scan.msk.s32 $0xffff, v5;
	v5 =	vnsel vm0, $0x0, v3;
	vm0 =	veq.f32 v8, $0.0e+00  }
0xa1: {  	s31 =	simm.s32 $0x108F0;
	(xrf0) =	vadd.scan.msk.s32 $0xffff, v6;
	v7 =	vnsel vm0, $0x0, v3  }
0xa2: {  	v6 =	vld [tilespmem:s31+$0xFFFFFFF0];
	(xrf0) =	vadd.scan.msk.s32 $0xffff, v5  }
0xa3: {  	v5 =	vld [tilespmem:s31+$0x0];
	(xrf0) =	vadd.scan.msk.s32 $0xffff, v7  }
0xa4: {  	v7, _, _ =	vpop (xrf0)  }
0xa5: {  	(v2sf) =	vpush v7, $0xF  }
0xa6: {  	v62, _, _ =	vpop (xrf0)  }
0xa7: {  	vm0 =	veq.f32 v6, $0.0e+00;
	(v2sf) =	vpush v62, $0xF;
	v7, _, _ =	vpop (xrf0)  }
0xa8: {  	v6 =	vnsel vm0, $0x0, v3;
	vm0 =	veq.f32 v5, $0.0e+00;
	(v2sf) =	vpush v7, $0xF;
	v5, _, _ =	vpop (xrf0)  }
0xa9: {  	(v2sf) =	vpush v5, $0xF;
	v63, _, _ =	vpop (xrf0)  }
0xaa: {  	(v2sf) =	vpush v63, $0xF;
	_ =	sdelay $0x2  }
0xab: {  	s24 =	simm.s32 $0x10910  }
0xac: {  	v8 =	vld [tilespmem:s24+$0xFFFFFFF0]  }
0xad: {  	(xrf0) =	vadd.scan.msk.s32 $0xffff, v6;
	v6 =	vld [tilespmem:s24+$0x0];
	v7 =	vnsel vm0, $0x0, v3  }
0xae: {  	(xrf0) =	vadd.scan.msk.s32 $0xffff, v7  }
0xaf: {  	s23 =	simm.s32 $0x0;
	s21 =	simm.s32 $0x1  }
0xb0: {  	s22 =	simm.s32 $0x2;
	s20 =	simm.s32 $0x3;
	s26 =	simm.s32 $0x10930  }
0xb1: {  	s19 =	simm.s32 $0x4;
	s24 =	simm.s32 $0x5;
	vm0 =	veq.f32 v8, $0.0e+00;
	v5 =	vimm.s32 $0x0;
	s25 =	spop (v2sf)  }
.LBB2_4:
0xb2: {  	v7 =	vld [tilespmem:s26+$0xFFFFFFF0];
	v10 =	vnsel vm0, $0x0, v3;
	vm0 =	veq.f32 v6, $0.0e+00;
	s28 =	spop (v2sf);
	s29 =	smov.u32 s24;
	p5 =	sne.s32 s24, $0x7  }
.Ltmp1:
0xb3: {  	s24 =	sadd.s32 $0x1, s24;
	v6 =	vld [tilespmem:s26+$0x0];
	v9 =	vnsel vm0, $0x0, v3;
	(xrf0) =	vadd.scan.msk.s32 $0xffff, v10;
	v8, _, _ =	vpop (xrf0);
	s28 =	sshll.u32 s28, $0x10;
	(pc) =	sbr.rel @p5 .LBB2_4-.Ltmp1, $4  }
0xb4: {  	(xrf0) =	vadd.scan.msk.s32 $0xffff, v9;
	(v2sf) =	vpush v8, $0xF;
	v8, _, _ =	vpop (xrf0);
	s25 =	sor.u32 s25, s28;
	v9 =	vmov s23;
	s23 =	smov.u32 s21;
	s21 =	smov.u32 s22  }
0xb5: {  	s22 =	smov.u32 s20;
	s20 =	smov.u32 s19;
	s19 =	smov.u32 s29;
	(v2sf) =	vpush v8, $0xF;
	vm0 =	veq.s32 v9, v0;
	v8 =	vmov s25  }
0xb6: {  	v8 =	vnsel vm0, $0x0, v8  }
0xb7: {  	s26 =	sadd.s32 $0x20, s26;
	vm0 =	veq.f32 v7, $0.0e+00;
	s25 =	spop (v2sf);
	v5 =	vor.u32 v5, v8  }
0xb8: {  	v7 =	vnsel vm0, $0x0, v3;
	vm0 =	veq.f32 v6, $0.0e+00  }
0xb9: {  	v6 =	vnsel vm0, $0x0, v3;
	(xrf0) =	vadd.scan.msk.s32 $0xffff, v7  }
0xba: {  	(xrf0) =	vadd.scan.msk.s32 $0xffff, v6;
	_ =	sdelay $0x2  }
0xbb: {  	v6, _, _ =	vpop (xrf0)  }
0xbc: {  	(v2sf) =	vpush v6, $0xF;
	v6, _, _ =	vpop (xrf0)  }
0xbd: {  	(v2sf) =	vpush v6, $0xF;
	v6, _, _ =	vpop (xrf0)  }
0xbe: {  	(v2sf) =	vpush v6, $0xF;
	v6, _, _ =	vpop (xrf0)  }
0xbf: {  	(v2sf) =	vpush v6, $0xF;
	_ =	sdelay $0x6  }
0xc0: {  	s24 =	spop (v2sf)  }
0xc1: {  	s24 =	sshll.u32 s24, $0x10;
	s26 =	spop (v2sf)  }
0xc2: {  	s24 =	sor.u32 s25, s24;
	s5 =	spop (v2sf);
	v6 =	vmov s23  }
0xc3: {  	vm0 =	veq.s32 v6, v0;
	v6 =	vmov s24;
	s12 =	spop (v2sf)  }
0xc4: {  	s23 =	sshll.u32 s5, $0x10;
	v6 =	vnsel vm0, $0x0, v6;
	s14 =	spop (v2sf)  }
0xc5: {  	s23 =	sor.u32 s26, s23;
	v5 =	vor.u32 v5, v6;
	v6 =	vmov s21;
	s16 =	sshll.u32 s14, $0x10;
	s17 =	spop (v2sf)  }
0xc6: {  	v7 =	vmov s22;
	vm0 =	veq.s32 v6, v0;
	v6 =	vmov s23;
	s21 =	sor.u32 s12, s16;
	s23 =	spop (v2sf)  }
0xc7: {  	v6 =	vnsel vm0, $0x0, v6;
	vm0 =	veq.s32 v7, v0;
	v7 =	vmov s21;
	s24 =	spop (v2sf)  }
0xc8: {  	v5 =	vor.u32 v5, v6;
	v6 =	vnsel vm0, $0x0, v7;
	s22 =	sshll.u32 s23, $0x10;
	s26 =	spop (v2sf)  }
0xc9: {  	v5 =	vor.u32 v5, v6;
	v6 =	vmov s20;
	s22 =	sor.u32 s17, s22;
	s28 =	sshll.u32 s26, $0x10  }
0xca: {  	v7 =	vmov s19;
	vm0 =	veq.s32 v6, v0;
	v6 =	vmov s22;
	s20 =	sor.u32 s24, s28  }
0xcb: {  	v6 =	vnsel vm0, $0x0, v6;
	vm0 =	veq.s32 v7, v0;
	v7 =	vmov s20  }
0xcc: {  	v5 =	vor.u32 v5, v6;
	v6 =	vnsel vm0, $0x0, v7  }
0xcd: {  	v5 =	vor.u32 v5, v6  }
0xce: {  	s0 =	simm.s32 $0x10980;
	[tilespmem:$0x10980] =	vst v5  }
0xcf: {  	[hbm4b:s7+s2] =	stream.linear.scatter [tilespmem:s0], [sflag:$0x1], $0x80, $0x38;
	[tilespmem:$0x12B00] =	vst v63  }
0xd0: {  	_ =	swait.ge [sflag:s3], $0x80  }
0xd1: {  	[sflag:s3] =	ssyncset.done $0x0  }
0xd2: {  	[sflag:s3] =	ssyncadd.s32 $0xFFFFFF80  }
0xd3: {  	[bflag:$0x0] =	sbarrier.arrive $0xFFFF  }
0xd4: {  	s19 =	simm.s32 @!p0 $0x0;
	s20 =	simm.s32 @!p0 $0x10A00;
	[tilespmem:$0x10A80] =	vst v4  }
0xd5: {  	[tilespmem:s20], [sflag:$0x1] =	stream.linear.gather @!p0 [hbm4b:s6+s19], $0x80, $0x38;
	[tilespmem:$0x12B00] =	vst v63  }
0xd6: {  	s19 =	simm.s32 @!p0 $0x1  }
0xd7: {  	_ =	swait.ge @!p0 [sflag:s19], $0x80  }
0xd8: {  	[sflag:s19] =	ssyncset.done @!p0 $0x0  }
0xd9: {  	[sflag:s19] =	ssyncadd.s32 @!p0 $0xFFFFFF80  }
0xda: {  	v5 =	vld @!p0 [tilespmem:$0x10A80]  }
0xdb: {  	v6 =	vld @!p0 [tilespmem:$0x10A00];
	_ =	sdelay $0x4  }
0xdc: {  	v5 =	vor.u32 @!p0 v5, v6  }
0xdd: {  	s20 =	simm.s32 @!p1 $0x10A00;
	s19 =	simm.s32 @!p1 $0x0;
	[tilespmem:$0x10A80] =	vst @!p0 v5  }
0xde: {  	[tilespmem:s20], [sflag:$0x1] =	stream.linear.gather @!p1 [hbm4b:s8+s19], $0x80, $0x38;
	[tilespmem:$0x12B00] =	vst v63  }
0xdf: {  	s19 =	simm.s32 @!p1 $0x1  }
0xe0: {  	_ =	swait.ge @!p1 [sflag:s19], $0x80  }
0xe1: {  	[sflag:s19] =	ssyncset.done @!p1 $0x0  }
0xe2: {  	[sflag:s19] =	ssyncadd.s32 @!p1 $0xFFFFFF80  }
0xe3: {  	v6 =	vld @!p1 [tilespmem:$0x10A80]  }
0xe4: {  	v7 =	vld @!p1 [tilespmem:$0x10A00];
	_ =	sdelay $0x4  }
0xe5: {  	v6 =	vor.u32 @!p1 v6, v7  }
0xe6: {  	s20 =	simm.s32 @!p2 $0x10A00;
	s19 =	simm.s32 @!p2 $0x0;
	[tilespmem:$0x10A80] =	vst @!p1 v6  }
0xe7: {  	[tilespmem:s20], [sflag:$0x1] =	stream.linear.gather @!p2 [hbm4b:s9+s19], $0x80, $0x38;
	[tilespmem:$0x12B00] =	vst v63  }
0xe8: {  	s19 =	simm.s32 @!p2 $0x1  }
0xe9: {  	_ =	swait.ge @!p2 [sflag:s19], $0x80  }
0xea: {  	[sflag:s19] =	ssyncset.done @!p2 $0x0  }
0xeb: {  	[sflag:s19] =	ssyncadd.s32 @!p2 $0xFFFFFF80  }
0xec: {  	v7 =	vld [tilespmem:$0x10600];
	_ =	sdelay $0x4  }
0xed: {  	(v2sf) =	vpush v7, $0x0  }
0xee: {  	v8 =	vld @!p2 [tilespmem:$0x10A00]  }
0xef: {  	v7 =	vld @!p2 [tilespmem:$0x10A80];
	_ =	sdelay $0x4  }
0xf0: {  	v7 =	vor.u32 @!p2 v7, v8  }
0xf1: {  	s29 =	simm.s32 $0x0;
	[tilespmem:$0x10A80] =	vst @!p2 v7  }
0xf2: {  	v12 =	vld [tilespmem:s29+$0x10601];
	_ =	sdelay $0x4  }
0xf3: {  	v8 =	vld [tilespmem:s29+$0x10400];
	(v2sf) =	vpush v12, $0x5  }
0xf4: {  	(v2sf) =	vpush v12, $0x4;
	s30 =	spop (v2sf)  }
0xf5: {  	v6 =	vpsel p3, v6, v7;
	(v2sf) =	vpush v12, $0xF;
	s31 =	sshra.s32 s30, $0x5;
	s19 =	sand.u32 $0x1F, s30  }
0xf6: {  	v5 =	vpsel p4, v6, v5;
	(v2sf) =	vpush v12, $0x3;
	v7 =	vmov s31;
	s19 =	sshll.u32 s3, s19  }
0xf7: {  	(v2sf) =	vpush v12, $0x2;
	vm0 =	veq.s32 v7, v0;
	v6 =	vmov s19  }
0xf8: {  	(v2sf) =	vpush v12, $0xD;
	v6 =	vnsel vm0, $0x0, v6;
	vm0 =	veq.s32 v8, $0x1  }
0xf9: {  	v5 =	vpsel p0, $0x0, v5;
	(v2sf) =	vpush v12, $0x1;
	v7 =	vsel vm0, $0x1, v4  }
0xfa: {  	v5 =	vor.u32 v5, v6;
	v6 =	vbroadcast v7, $0x2;
	v8 =	vbroadcast v7, $0x4  }
0xfb: {  	(v2sf) =	vpush v12, $0x0;
	v10 =	vbroadcast v7, $0x8;
	v9 =	vbroadcast v7, $0xD  }
0xfc: {  	(v2sf) =	vpush v12, $0x6;
	v14 =	vbroadcast v7, $0xA;
	v15 =	vbroadcast v7, $0x3  }
0xfd: {  	v16 =	vbroadcast v7, $0x6;
	v13 =	vbroadcast v7, $0x0;
	(v2sf) =	vpush v12, $0x7  }
0xfe: {  	v18 =	vbroadcast v7, $0xF;
	v63 =	vbroadcast v7, $0x5;
	(v2sf) =	vpush v12, $0x8  }
0xff: {  	v11 =	vand.u32 $0x1, v8;
	v8 =	vand.u32 $0x1, v9;
	(v2sf) =	vpush v12, $0x9  }
0x100: {  	v9 =	vbroadcast v7, $0xE;
	v16 =	vand.u32 $0x1, v16;
	(v2sf) =	vpush v12, $0xA  }
0x101: {  	vm4 =	veq.s32 v11, $0x1;
	v11 =	vand.u32 $0x1, v63;
	vm10 =	veq.s32 v16, $0x1  }
0x102: {  	v17 =	vand.u32 $0x1, v9;
	v9 =	vand.u32 $0x1, v14;
	v14 =	vand.u32 $0x1, v15  }
0x103: {  	s21 =	simm.s32 $0x40;
	v15 =	vand.u32 $0x1, v18;
	vm3 =	veq.s32 v14, $0x1;
	v14 =	vbroadcast v7, $0x9;
	s22 =	spop (v2sf)  }
0x104: {  	s20 =	simm.s32 $0x10B80;
	s19 =	simm.s32 $0x10B80;
	vm5 =	veq.s32 v17, $0x1;
	vm9 =	veq.s32 v15, $0x1;
	(v2sf) =	vpush v12, $0xB;
	s24 =	spop (v2sf)  }
.LBB2_6:
0x105: {  	v15 =	vimm.s32 $0x0;
	(v2sf) =	vpush v12, $0xC  }
0x106: {  	v16 =	vbroadcast v7, $0x7;
	vm0 =	veq.s32 v8, $0x1;
	v8 =	vimm.s32 $0x0  }
0x107: {  	vm11 =	veq.s32 v9, $0x1;
	v9 =	vimm.s32 $0x0;
	v8 =	vsel vm0, $0xFFFFFFFF, v8  }
0x108: {  	v15 =	vsel vm5, $0xFFFFFFFF, v15;
	v14 =	vand.u32 $0x1, v14;
	[tilespmem:$0x1FFD0] =	vst v8;
	v8 =	vand.u32 $0x1, v10  }
0x109: {  	v6 =	vand.u32 $0x1, v6;
	s23 =	spop (v2sf);
	vm0 =	veq.s32 v8, $0x1;
	v8 =	vimm.s32 $0x0  }
0x10a: {  	[tilespmem:$0x1FFF0] =	vst v15;
	v15 =	vbroadcast v7, $0xB;
	v16 =	vand.u32 $0x1, v16;
	s25 =	spop (v2sf);
	v8 =	vsel vm0, $0xFFFFFFFF, v8  }
0x10b: {  	s26 =	sshra.s32 s23, $0x5;
	(v2sf) =	vpush v12, $0xE;
	vm0 =	veq.s32 v16, $0x1;
	s1 =	spop (v2sf);
	[tilespmem:$0x1FFA0] =	vst v8;
	v8 =	vimm.s32 $0x0  }
0x10c: {  	v10 =	vand.u32 $0x1, v15;
	s28 =	sshra.s32 s25, $0x5;
	v12 =	vmov s26;
	s26 =	spop (v2sf);
	v8 =	vsel vm0, $0xFFFFFFFF, v8  }
0x10d: {  	s31 =	sshra.s32 s1, $0x5;
	v15 =	vmov s28;
	vm0 =	veq.s32 v14, $0x1;
	[tilespmem:$0x1FF90] =	vst v8;
	v8 =	vimm.s32 $0x0;
	s0 =	spop (v2sf)  }
0x10e: {  	s30 =	sand.u32 $0x1F, s22;
	v8 =	vsel vm0, $0xFFFFFFFF, v8;
	vm0 =	veq.s32 v12, v0;
	v12 =	vmov s31;
	s28 =	spop (v2sf)  }
0x10f: {  	s4 =	sand.u32 $0x1F, s24;
	vm13 =	veq.s32 v6, $0x1;
	s14 =	sshra.s32 s0, $0x5;
	[tilespmem:$0x1FFB0] =	vst v8;
	v8 =	vimm.s32 $0x0;
	s5 =	spop (v2sf);
	vm7 =	veq.s32 v12, v0  }
0x110: {  	s29 =	sand.u32 $0x1F, s1;
	s31 =	sshra.s32 s22, $0x5;
	v8 =	vsel vm0, $0xFFFFFFFF, v8;
	vm0 =	veq.s32 v10, $0x1;
	v10 =	vmov s14;
	s16 =	spop (v2sf)  }
0x111: {  	s22 =	sshll.u32 s3, s30;
	s30 =	sand.u32 $0x1F, s5;
	[tilespmem:$0x1FFE0] =	vst v8;
	v8 =	vbroadcast v7, $0x1;
	v7 =	vbroadcast v7, $0xC;
	v9 =	vsel vm0, $0xFFFFFFFF, v9;
	s17 =	sshra.s32 s16, $0x5  }
0x112: {  	s1 =	sshra.s32 s24, $0x5;
	s12 =	sshra.s32 s5, $0x5;
	vm5 =	veq.s32 v10, v0;
	s30 =	sshll.u32 s3, s30;
	[tilespmem:$0x1FFC0] =	vst v9;
	v9 =	vand.u32 $0x1, v13;
	v10 =	vmov s17  }
0x113: {  	s24 =	sshll.u32 s3, s4;
	s0 =	sand.u32 $0x1F, s0;
	s16 =	sand.u32 $0x1F, s16;
	v13 =	vmov s12;
	v14 =	vmov s30;
	v7 =	vand.u32 $0x1, v7  }
0x114: {  	s16 =	sshll.u32 s3, s16;
	s17 =	spop (v2sf);
	s30 =	sshll.u32 s3, s0;
	vm15 =	veq.s32 v9, $0x1;
	v8 =	vand.u32 $0x1, v8;
	v9 =	vmov s1  }
0x115: {  	s4 =	sshra.s32 s17, $0x5;
	s5 =	spop (v2sf);
	vm1 =	veq.s32 v13, v0;
	vm12 =	veq.s32 v7, $0x1;
	v7 =	vmov s16;
	s16 =	sand.u32 $0x1F, s17  }
0x116: {  	vm6 =	veq.s32 v10, v0;
	vm0 =	veq.s32 v8, $0x1;
	v8 =	vmov s31;
	s12 =	sshra.s32 s5, $0x5;
	s17 =	sand.u32 $0x1F, s5;
	s5 =	spop (v2sf)  }
0x117: {  	v6 =	vmov s4;
	v13 =	vnsel vm1, $0x0, v14;
	vm2 =	veq.s32 v9, v0;
	s14 =	sshll.u32 s3, s16;
	s31 =	sshll.u32 s3, s17;
	s16 =	sshra.s32 s5, $0x5  }
0x118: {  	vm1 =	veq.s32 v11, $0x1;
	v10 =	vmov s12;
	s1 =	sand.u32 $0x1F, s5;
	s12 =	spop (v2sf);
	v7 =	vnsel vm6, $0x0, v7;
	s5 =	sshll.u32 s3, s29  }
0x119: {  	vm6 =	veq.s32 v6, v0;
	s4 =	sshra.s32 s12, $0x5;
	s17 =	sand.u32 $0x1F, s12;
	v6 =	vmov s14;
	v9 =	vmov s31;
	s12 =	spop (v2sf)  }
0x11a: {  	s29 =	sand.u32 $0x1F, s26;
	v14 =	vmov s5;
	s31 =	sshll.u32 s3, s17;
	v6 =	vnsel vm6, $0x0, v6;
	vm6 =	veq.s32 v10, v0;
	s14 =	sand.u32 $0x1F, s12  }
0x11b: {  	s17 =	sshra.s32 s12, $0x5;
	v10 =	vmov s16;
	v9 =	vnsel vm6, $0x0, v9;
	v11 =	vmov s31;
	s0 =	sshll.u32 s3, s14;
	s31 =	sshra.s32 s26, $0x5  }
0x11c: {  	vm6 =	veq.s32 v10, v0;
	v10 =	vmov s4;
	v12 =	vmov s17;
	s17 =	sand.u32 $0x1F, s28;
	s14 =	sand.u32 $0x1F, s25;
	s12 =	spop (v2sf)  }
0x11d: {  	vm14 =	veq.s32 v15, v0;
	vm8 =	veq.s32 v10, v0;
	v10 =	vnsel vm7, $0x0, v14;
	s26 =	sshra.s32 s12, $0x5;
	s16 =	sand.u32 $0x1F, s12;
	s12 =	sshra.s32 s28, $0x5  }
0x11e: {  	s5 =	sshll.u32 s3, s17;
	vm7 =	veq.s32 v12, v0;
	s17 =	sshll.u32 s3, s14;
	v11 =	vnsel vm8, $0x0, v11;
	v12 =	vmov s12  }
0x11f: {  	v14 =	vmov s5;
	v59 =	vmov s17;
	vm8 =	veq.s32 v12, v0  }
0x120: {  	v58 =	vmov s30;
	v16 =	vnsel vm14, $0x0, v59;
	v14 =	vnsel vm8, $0x0, v14  }
0x121: {  	v12 =	vnsel vm5, $0x0, v58;
	vm5 =	veq.s32 v8, v0;
	v5 =	vor.u32 v5, v14  }
0x122: {  	v8 =	vmov s22;
	v17 =	vnsel vm15, $0x0, v5;
	v5 =	vor.u32 v12, v5  }
0x123: {  	v12 =	vmov s24;
	v60 =	vnsel vm0, $0x0, v5;
	v5 =	vor.u32 v10, v5  }
0x124: {  	v8 =	vnsel vm5, $0x0, v8;
	v10 =	vnsel vm2, $0x0, v12;
	v12 =	vor.u32 v16, v5  }
0x125: {  	v14 =	vmov s0;
	v16 =	vnsel vm3, $0x0, v12;
	v10 =	vor.u32 v10, v12  }
0x126: {  	v12 =	vnsel vm7, $0x0, v14;
	v14 =	vnsel vm4, $0x0, v10;
	v8 =	vor.u32 v8, v10  }
0x127: {  	v10 =	vmov s31;
	[tilespmem:s19+$0xFFFFFFC0] =	vst v14;
	v14 =	vnsel vm1, $0x0, v8;
	v8 =	vor.u32 v13, v8  }
0x128: {  	vm0 =	veq.s32 v10, v0;
	v10 =	vnsel vm10, $0x0, v8  }
0x129: {  	[tilespmem:s19+$0xFFFFFFE0] =	vst v10;
	v10 =	vld [tilespmem:$0x1FF90];
	_ =	sdelay $0x3  }
0x12a: {  	s29 =	sshll.u32 s3, s29  }
0x12b: {  	v7 =	vor.u32 v7, v8;
	v8 =	vmov s29;
	vm1 =	vnez.u8 v10  }
0x12c: {  	v6 =	vor.u32 v6, v7;
	v10 =	vnsel vm1, $0x0, v7;
	v7 =	vnsel vm0, $0x0, v8;
	v8 =	vld [tilespmem:$0x1FFA0];
	_ =	sdelay $0x4  }
0x12d: {  	vm0 =	vnez.u8 v8  }
0x12e: {  	v8 =	vnsel vm0, $0x0, v6  }
0x12f: {  	[tilespmem:s19+$0x0] =	vst v8;
	v8 =	vld [tilespmem:$0x1FFB0];
	_ =	sdelay $0x2  }
0x130: {  	s1 =	sshll.u32 s3, s1  }
0x131: {  	v15 =	vmov s1  }
0x132: {  	v15 =	vnsel vm6, $0x0, v15;
	v6 =	vor.u32 v9, v6;
	vm0 =	vnez.u8 v8  }
0x133: {  	v8 =	vnsel vm0, $0x0, v6;
	v6 =	vor.u32 v15, v6  }
0x134: {  	[tilespmem:s19+$0x10] =	vst v8;
	v8 =	vnsel vm11, $0x0, v6  }
0x135: {  	[tilespmem:s19+$0x20] =	vst v8;
	v8 =	vld [tilespmem:$0x1FFC0];
	_ =	sdelay $0x4  }
0x136: {  	v6 =	vor.u32 v11, v6;
	vm1 =	vnez.u8 v8  }
0x137: {  	v8 =	vnsel vm1, $0x0, v6;
	v6 =	vor.u32 v12, v6  }
0x138: {  	[tilespmem:s19+$0x30] =	vst v8;
	v8 =	vnsel vm12, $0x0, v6  }
0x139: {  	[tilespmem:s19+$0x40] =	vst v8;
	v8 =	vld [tilespmem:$0x1FFD0];
	_ =	sdelay $0x2  }
0x13a: {  	s28 =	sshll.u32 s3, s16;
	[tilespmem:s19+$0xFFFFFFF0] =	vst v10;
	v10 =	vmov s26  }
0x13b: {  	v9 =	vmov s28;
	vm0 =	veq.s32 v10, v0  }
0x13c: {  	v9 =	vnsel vm0, $0x0, v9;
	v6 =	vor.u32 v7, v6;
	vm0 =	vnez.u8 v8  }
0x13d: {  	v8 =	vnsel vm0, $0x0, v6;
	v6 =	vor.u32 v9, v6;
	v9 =	vld [tilespmem:$0x1FFE0];
	_ =	sdelay $0x4  }
0x13e: {  	vm0 =	vnez.u8 v9;
	v9 =	vnsel vm13, $0x0, v5;
	v5 =	vld [tilespmem:$0x1FFF0]  }
0x13f: {  	[tilespmem:s19+$0xFFFFFF80] =	vst v17  }
0x140: {  	s23 =	sand.u32 $0x1F, s23;
	[tilespmem:s19+$0xFFFFFF90] =	vst v60  }
0x141: {  	s16 =	sshll.u32 s3, s23;
	[tilespmem:s19+$0xFFFFFFB0] =	vst v16  }
0x142: {  	[tilespmem:s19+$0xFFFFFFD0] =	vst v14;
	v7 =	vmov s16  }
0x143: {  	[tilespmem:s19+$0x50] =	vst v8;
	v7 =	vnsel vm0, $0x0, v7;
	vm0 =	vnez.u8 v5  }
0x144: {  	[tilespmem:s19+$0xFFFFFFA0] =	vst v9;
	v5 =	vor.u32 v7, v6;
	v8 =	vnsel vm0, $0x0, v6  }
0x145: {  	s23 =	smov.u32 s21;
	v6 =	vnsel vm9, $0x0, v5;
	[tilespmem:s19+$0x60] =	vst v8  }
0x146: {  	s30 =	sshra.s32 s23, $0x2;
	[tilespmem:s19+$0x70] =	vst v6  }
0x147: {  	v12 =	vld [tilespmem:s30+$0x10601];
	_ =	sdelay $0x1  }
0x148: {  	v6 =	vld [tilespmem:s30+$0x10400];
	_ =	sdelay $0x2  }
0x149: {  	(v2sf) =	vpush v12, $0x5  }
0x14a: {  	(v2sf) =	vpush v12, $0x4  }
0x14b: {  	vm0 =	veq.s32 v6, $0x1  }
0x14c: {  	v7 =	vsel vm0, $0x1, v4  }
0x14d: {  	v6 =	vbroadcast v7, $0x2  }
0x14e: {  	(v2sf) =	vpush v12, $0xF;
	v8 =	vbroadcast v7, $0x4;
	v10 =	vbroadcast v7, $0x8  }
0x14f: {  	v9 =	vbroadcast v7, $0xD;
	v14 =	vbroadcast v7, $0xA;
	(v2sf) =	vpush v12, $0x3  }
0x150: {  	v15 =	vbroadcast v7, $0x3;
	v61 =	vbroadcast v7, $0x6;
	(v2sf) =	vpush v12, $0x2  }
0x151: {  	v13 =	vbroadcast v7, $0x0;
	v18 =	vbroadcast v7, $0xF;
	(v2sf) =	vpush v12, $0xD  }
0x152: {  	v63 =	vbroadcast v7, $0x5;
	v11 =	vand.u32 $0x1, v8;
	(v2sf) =	vpush v12, $0x1  }
0x153: {  	v8 =	vand.u32 $0x1, v9;
	v9 =	vbroadcast v7, $0xE;
	(v2sf) =	vpush v12, $0x0  }
0x154: {  	p5 =	sne.s32 s21, $0x7C0;
	v16 =	vand.u32 $0x1, v61;
	vm4 =	veq.s32 v11, $0x1;
	(v2sf) =	vpush v12, $0x6  }
.Ltmp2:
0x155: {  	v11 =	vand.u32 $0x1, v63;
	vm10 =	veq.s32 v16, $0x1;
	(v2sf) =	vpush v12, $0x7;
	(pc) =	sbr.rel @p5 .LBB2_6-.Ltmp2, $4  }
0x156: {  	v62 =	vand.u32 $0x1, v9;
	v9 =	vand.u32 $0x1, v14;
	(v2sf) =	vpush v12, $0x8  }
0x157: {  	v14 =	vand.u32 $0x1, v15;
	v15 =	vand.u32 $0x1, v18;
	(v2sf) =	vpush v12, $0x9  }
0x158: {  	s20 =	sadd.s32 $0x100, s20;
	vm3 =	veq.s32 v14, $0x1;
	v14 =	vbroadcast v7, $0x9;
	(v2sf) =	vpush v12, $0xA;
	s22 =	spop (v2sf)  }
0x159: {  	s21 =	sadd.s32 $0x40, s21;
	s19 =	smov.u32 s20;
	vm5 =	veq.s32 v62, $0x1;
	vm9 =	veq.s32 v15, $0x1;
	(v2sf) =	vpush v12, $0xB;
	s24 =	spop (v2sf)  }
0x15a: {  	_ =	sdelay $0x2  }
0x15b: {  	s20 =	spop (v2sf)  }
0x15c: {  	s23 =	spop (v2sf)  }
0x15d: {  	s0 =	spop (v2sf)  }
0x15e: {  	v62 =	vbroadcast v7, $0x1;
	s21 =	spop (v2sf)  }
0x15f: {  	v29 =	vand.u32 $0x1, v13;
	v42 =	vbroadcast v7, $0x7;
	v10 =	vand.u32 $0x1, v10;
	s1 =	spop (v2sf)  }
0x160: {  	v48 =	vand.u32 $0x1, v14;
	v50 =	vbroadcast v7, $0xB;
	v7 =	vbroadcast v7, $0xC;
	s26 =	sshra.s32 s23, $0x5;
	s23 =	sand.u32 $0x1F, s23;
	s4 =	spop (v2sf)  }
0x161: {  	v6 =	vand.u32 $0x1, v6;
	v31 =	vand.u32 $0x1, v62;
	v60 =	vmov s26;
	s26 =	sshll.u32 s3, s23;
	s5 =	spop (v2sf)  }
0x162: {  	v52 =	vand.u32 $0x1, v50;
	vm6 =	veq.s32 v60, v0;
	v28 =	vmov s26;
	s23 =	sshra.s32 s21, $0x5;
	s12 =	spop (v2sf)  }
0x163: {  	v7 =	vand.u32 $0x1, v7;
	v30 =	vnsel vm6, $0x0, v28;
	v45 =	vmov s23;
	s14 =	sshra.s32 s5, $0x5;
	s5 =	sand.u32 $0x1F, s5;
	s16 =	sand.u32 $0x1F, s12  }
0x164: {  	vm6 =	veq.s32 v10, $0x1;
	vm1 =	veq.s32 v45, v0;
	(v2sf) =	vpush v12, $0xC;
	s12 =	sshra.s32 s12, $0x5;
	s17 =	spop (v2sf);
	s5 =	sshll.u32 s3, s5  }
0x165: {  	v17 =	vmov s14;
	s16 =	sshll.u32 s3, s16;
	v15 =	vmov s12;
	s28 =	sshra.s32 s17, $0x5;
	s29 =	spop (v2sf);
	v18 =	vmov s5  }
0x166: {  	s30 =	sand.u32 $0x1F, s17;
	vm0 =	veq.s32 v17, v0;
	v16 =	vmov s16;
	s31 =	sshra.s32 s29, $0x5;
	v57 =	vmov s28  }
0x167: {  	s17 =	sshll.u32 s3, s30;
	s25 =	sand.u32 $0x1F, s29;
	v18 =	vnsel vm0, $0x0, v18;
	vm7 =	veq.s32 v15, v0;
	v58 =	vmov s31  }
0x168: {  	s28 =	sshra.s32 s0, $0x5;
	s14 =	sshll.u32 s3, s25;
	v16 =	vnsel vm7, $0x0, v16;
	vm8 =	veq.s32 v57, v0;
	v59 =	vmov s17  }
0x169: {  	s0 =	sand.u32 $0x1F, s0;
	v20 =	vmov s28;
	vm7 =	veq.s32 v29, $0x1;
	v19 =	vmov s14  }
0x16a: {  	s25 =	spop (v2sf);
	s0 =	sshll.u32 s3, s0;
	s17 =	sshra.s32 s4, $0x5;
	v17 =	vnsel vm8, $0x0, v59;
	vm11 =	veq.s32 v58, v0;
	vm12 =	veq.s32 v20, v0  }
0x16b: {  	s28 =	sshra.s32 s24, $0x5;
	s29 =	spop (v2sf);
	v21 =	vmov s0;
	v63 =	vmov s17;
	(v2sf) =	vpush v12, $0xE  }
0x16c: {  	s4 =	sand.u32 $0x1F, s4;
	s14 =	sshra.s32 s1, $0x5;
	vm8 =	veq.s32 v31, $0x1;
	v33 =	vmov s28;
	v12 =	vand.u32 $0x1, v42  }
0x16d: {  	s4 =	sshll.u32 s3, s4;
	v19 =	vnsel vm11, $0x0, v19;
	v21 =	vnsel vm12, $0x0, v21;
	v23 =	vmov s14  }
0x16e: {  	s1 =	sand.u32 $0x1F, s1;
	s28 =	sshra.s32 s20, $0x5;
	s30 =	sshra.s32 s29, $0x5;
	v25 =	vmov s4;
	vm15 =	veq.s32 v63, v0;
	vm11 =	veq.s32 v33, v0  }
0x16f: {  	s31 =	sand.u32 $0x1F, s29;
	s16 =	sshll.u32 s3, s1;
	s4 =	sshra.s32 s25, $0x5;
	v59 =	vmov s28;
	v61 =	vmov s30;
	vm14 =	veq.s32 v23, v0  }
0x170: {  	s12 =	sshll.u32 s3, s31;
	v24 =	vmov s16;
	v23 =	vnsel vm15, $0x0, v25;
	v36 =	vmov s4  }
0x171: {  	s29 =	sand.u32 $0x1F, s24;
	s14 =	sand.u32 $0x1F, s25;
	s30 =	sshra.s32 s22, $0x5;
	vm15 =	veq.s32 v11, $0x1;
	v22 =	vmov s12;
	vm13 =	veq.s32 v61, v0  }
0x172: {  	s1 =	sshll.u32 s3, s29;
	s0 =	sshll.u32 s3, s14;
	v24 =	vnsel vm14, $0x0, v24;
	v5 =	vor.u32 v5, v23;
	v34 =	vmov s30  }
0x173: {  	s31 =	sand.u32 $0x1F, s22;
	v37 =	vmov s1;
	v40 =	vmov s0;
	v22 =	vnsel vm13, $0x0, v22  }
0x174: {  	s29 =	sand.u32 $0x1F, s20;
	s12 =	sshll.u32 s3, s31;
	v32 =	vnsel vm7, $0x0, v5;
	v5 =	vor.u32 v24, v5;
	v24 =	vnsel vm11, $0x0, v37  }
0x175: {  	s30 =	sshll.u32 s3, s29;
	vm12 =	veq.s32 v34, v0;
	v38 =	vmov s12;
	vm13 =	veq.s32 v36, v0  }
0x176: {  	vm7 =	veq.s32 v48, $0x1;
	v61 =	vmov s30;
	v35 =	vnsel vm8, $0x0, v5  }
0x177: {  	v20 =	vnsel vm12, $0x0, v38;
	v5 =	vor.u32 v21, v5;
	v21 =	vnsel vm13, $0x0, v40  }
0x178: {  	vm8 =	veq.s32 v9, $0x1;
	vm12 =	veq.s32 v7, $0x1;
	v13 =	vor.u32 v30, v5  }
0x179: {  	[tilespmem:s19+$0xFFFFFF80] =	vst v32;
	vm13 =	veq.s32 v8, $0x1;
	v41 =	vnsel vm3, $0x0, v13;
	v13 =	vor.u32 v24, v13  }
0x17a: {  	[tilespmem:s19+$0xFFFFFF90] =	vst v35;
	v44 =	vor.u32 v20, v13;
	v13 =	vnsel vm4, $0x0, v13;
	vm4 =	veq.s32 v12, $0x1  }
0x17b: {  	[tilespmem:s19+$0xFFFFFFB0] =	vst v41;
	v20 =	vnsel vm15, $0x0, v44;
	v11 =	vor.u32 v18, v44;
	vm15 =	veq.s32 v6, $0x1  }
0x17c: {  	[tilespmem:s19+$0xFFFFFFC0] =	vst v13;
	s16 =	spop (v2sf);
	v16 =	vor.u32 v16, v11;
	v11 =	vnsel vm10, $0x0, v11;
	vm10 =	veq.s32 v52, $0x1  }
0x17d: {  	s24 =	sand.u32 $0x1F, s21;
	[tilespmem:s19+$0xFFFFFFD0] =	vst v20;
	v5 =	vnsel vm15, $0x0, v5;
	s17 =	sshra.s32 s16, $0x5;
	s1 =	sand.u32 $0x1F, s16;
	v47 =	vnsel vm4, $0x0, v16;
	v49 =	vor.u32 v17, v16  }
0x17e: {  	[tilespmem:s19+$0xFFFFFFE0] =	vst v11;
	v39 =	vmov s17;
	s22 =	sshll.u32 s3, s1;
	s1 =	sshll.u32 s3, s24;
	v51 =	vor.u32 v19, v49;
	v10 =	vnsel vm6, $0x0, v49  }
0x17f: {  	[tilespmem:s19+$0xFFFFFFA0] =	vst v5;
	vm14 =	veq.s32 v39, v0;
	v43 =	vmov s22;
	v46 =	vmov s1  }
0x180: {  	[tilespmem:s19+$0xFFFFFFF0] =	vst v47;
	v53 =	vnsel vm7, $0x0, v51;
	v54 =	vor.u32 v21, v51;
	v24 =	vnsel vm14, $0x0, v43;
	s25 =	spop (v2sf)  }
0x181: {  	[tilespmem:s19+$0x0] =	vst v10;
	v12 =	vnsel vm1, $0x0, v46;
	v57 =	vor.u32 v22, v54;
	v9 =	vnsel vm8, $0x0, v54;
	s26 =	sand.u32 $0x1F, s25;
	s0 =	sshra.s32 s25, $0x5  }
0x182: {  	[tilespmem:s19+$0x10] =	vst v53;
	vm14 =	veq.s32 v59, v0;
	v58 =	vnsel vm10, $0x0, v57;
	s1 =	sshll.u32 s3, s26;
	v56 =	vmov s0  }
0x183: {  	v7 =	vor.u32 v24, v57;
	[tilespmem:s19+$0x20] =	vst v9;
	v55 =	vmov s1;
	vm11 =	veq.s32 v56, v0  }
0x184: {  	v60 =	vnsel vm12, $0x0, v7;
	[tilespmem:s19+$0x30] =	vst v58;
	v7 =	vor.u32 v12, v7;
	v11 =	vnsel vm11, $0x0, v55  }
0x185: {  	v8 =	vnsel vm14, $0x0, v61;
	v62 =	vnsel vm13, $0x0, v7;
	[tilespmem:s19+$0x40] =	vst v60;
	v7 =	vor.u32 v11, v7  }
0x186: {  	s18 =	sadd.s32 $0x1, s18;
	[tilespmem:s19+$0x50] =	vst v62;
	v63 =	vnsel vm5, $0x0, v7;
	v7 =	vor.u32 v8, v7  }
0x187: {  	p5 =	sne.s32 s18, s11;
	v7 =	vnsel vm9, $0x0, v7;
	[tilespmem:s19+$0x60] =	vst v63  }
.Ltmp3:
0x188: {  	s31 =	simm.s32 $0x10B00;
	s1 =	simm.s32 $0x80;
	[tilespmem:s19+$0x70] =	vst v7;
	(pc) =	sbr.rel @p5 .LBB2_1-.Ltmp3, $4  }
0x189: {  	[hbm4b:s10+s1] =	stream.strided.scatter [tilespmem:s31], [sflag:$0x1], $0x2000, s13, s1, $0x38;
	[tilespmem:$0x12B00] =	vst v63  }
0x18a: {  	_ =	swait.ge [sflag:s3], $0x2000  }
0x18b: {  	[sflag:s3] =	ssyncset.done $0x0  }
0x18c: {  	[sflag:s3] =	ssyncadd.s32 $0xFFFFE000  }
0x18d: {  	_ =	sfence.sel $0x180000  }
0x18e: {  	[bflag:$0x0] =	sbarrier.arrive $0xFFFF  }
0x18f: {  	_ =	strace $0x90000047  }
0x190: {  	s0 =	stileid.u32;
	[bflag:$0x2] =	sbarrier.arrive $0xFFFF  }
0x191: {  	p0 =	sne.s32 s0, $0x0;
	s0 =	rddreg [dreg:$0x2]  }
0x192: {  	s0 =	sadd.s32 @!p0 $0x100000, s0  }
0x193: {  	[sflag:s0] =	ssyncadd.tile.s32 @!p0 $0x1;
	_ =	shalt  }
.Lfunc_end2:
_tile_overlayer_lowered:
.L_overlay_start_2:
0x194: {  	(tag) =	ssettag $0x2  }
0x195: {  	s0 =	rddreg [dreg:$0x0];
	s2 =	stileid.u32  }
0x196: {  	s1 =	rddreg [dreg:$0x1];
	p0 =	sne.s32 s2, $0x0  }
0x197: {  	s3 =	rddreg [dreg:$0x2];
	[bflag:$0x3] =	sbarrier.arrive $0xFFFF;
	s2 =	simm.s32 @!p0 $0x1C01  }
0x198: {  	[timem:s3], [sflag:s2] =	dma.local @!p0 [hbm:s0], s1  }
0x199: {  	s0 =	simm.s32 @!p0 $0x1  }
0x19a: {  	_ =	swait.ge @!p0 [sflag:s0], s1  }
0x19b: {  	s1 =	ssub.s32 @!p0 $0x0, s1;
	[sflag:s0] =	ssyncset.done @!p0 $0x0  }
0x19c: {  	[sflag:s0] =	ssyncadd.s32 @!p0 s1  }
0x19d: {  	[bflag:$0x3] =	sbarrier.arrive $0xFFFF  }
0x19e: {  	_ =	shalt  }

</sc_bundles>
